<compile_context>
chip_gen: v7x
topology: tpu7x:2x2x1
jax: 0.10.2.dev20260603
libtpu: 0.0.44.dev20260713+nightly
codegen_flags: <defaults>
</compile_context>

<pallas_src>
import functools

import jax
import jax.numpy as jnp
from jax import lax
from jax.experimental import pallas as pl
from jax.experimental.pallas import tpu as pltpu
from jax.experimental.pallas import tpu_sc as plsc



def _silu(x):
    return x * jax.nn.sigmoid(x)


def _node_body(a_ref, pos_ref, embt_ref, w1_ref, b1_ref, w2_ref, b2_ref, out_ref):
    nb = a_ref.shape[1]
    a = a_ref[0]
    oh = (a == lax.broadcasted_iota(jnp.int32, (nb, 16), 1).astype(jnp.float32)
          ).astype(jnp.float32)
    x = jnp.dot(oh, embt_ref[...], preferred_element_type=jnp.float32, precision=lax.Precision.HIGHEST)
    t = _silu(jnp.dot(x, w1_ref[...], preferred_element_type=jnp.float32, precision=lax.Precision.HIGHEST) + b1_ref[...])
    ai = jnp.dot(t, w2_ref[...], preferred_element_type=jnp.float32, precision=lax.Precision.HIGHEST) + b2_ref[...]
    out_ref[...] = jnp.concatenate(
        [pos_ref[...], ai, jnp.zeros((nb, 5), jnp.float32)], axis=1)


def _node_table(a3, pos_p, emb_pad, w1, b1, w2, b2, np_, nb):
    grid = np_ // nb
    full = lambda shape: pl.BlockSpec(shape, lambda i: (0,) * len(shape))
    return pl.pallas_call(
        _node_body,
        grid=(grid,),
        in_specs=[
            pl.BlockSpec((1, nb, 1), lambda i: (i, 0, 0)),
            pl.BlockSpec((nb, 3), lambda i: (i, 0)),
            full((16, 16)), full((16, 64)), full((1, 64)),
            full((64, 8)), full((1, 8)),
        ],
        out_specs=pl.BlockSpec((nb, 16), lambda i: (i, 0)),
        out_shape=jax.ShapeDtypeStruct((np_, 16), jnp.float32),
        name="node_embed",
    )(a3, pos_p, emb_pad, w1, b1, w2, b2)


def _edge1_body(gs_ref, gd_ref, w1c_ref, b1c_ref, w2d_ref, b2d_ref,
                w3d_ref, b3d_ref, wall_ref, feat_ref, aux_ref,
                *, n_edges, te, scale):
    p = pl.program_id(0)
    gs = gs_ref[...]
    gd = gd_ref[...]
    ps = gs[:, 0:3]
    a = gs[:, 3:11]
    pd = gd[:, 0:3]
    v = pd - ps
    r = jnp.sqrt(jnp.sum(v * v, axis=1, keepdims=True))
    n = v / jnp.maximum(r, 1e-8)
    nn = jnp.sum(n * n, axis=1, keepdims=True)

    step = 5.0 / 17.0
    centers = (lax.broadcasted_iota(jnp.int32, (te, 16), 1).astype(jnp.float32)
               + 1.0) * step
    diff = (r - centers) / step
    emb = jnp.exp(-diff * diff) * (4.0 / 1.12)

    t = _silu(jnp.dot(emb, w1c_ref[...], preferred_element_type=jnp.float32, precision=lax.Precision.HIGHEST)
              + b1c_ref[...])
    t = _silu(jnp.dot(t, w2d_ref[...], preferred_element_type=jnp.float32, precision=lax.Precision.HIGHEST)
              + b2d_ref[...])
    g = jnp.dot(t, w3d_ref[...], preferred_element_type=jnp.float32, precision=lax.Precision.HIGHEST) + b3d_ref[...]

    a_all = jnp.dot(a, wall_ref[...], preferred_element_type=jnp.float32, precision=lax.Precision.HIGHEST)
    row = p * te + lax.broadcasted_iota(jnp.int32, (te, 1), 0)
    mask = (row < n_edges).astype(jnp.float32)
    out0 = (g[:, 0:1] * mask) * a_all[:, 0:64] + \
           (g[:, 3:4] * nn * mask) * a_all[:, 192:256]
    b = (g[:, 1:2] * mask) * a_all[:, 64:128] + \
        (g[:, 2:3] * mask) * a_all[:, 128:192]
    feat_ref[:, 0:128] = jnp.concatenate([out0, n[:, 0:1] * b], axis=1) * scale
    feat_ref[:, 128:256] = jnp.concatenate([n[:, 1:2] * b, n[:, 2:3] * b],
                                           axis=1) * scale
    aux_ref[...] = jnp.concatenate([n, g[:, 16:21]], axis=1)


def _edge1(gs, gd, wts, ep, te, n_edges, scale):
    grid = ep // te
    full = lambda shape: pl.BlockSpec(shape, lambda i: (0,) * len(shape))
    specs = [pl.BlockSpec((te, 16), lambda i: (i, 0))] * 2
    for w in wts:
        specs.append(full(w.shape))
    return pl.pallas_call(
        functools.partial(_edge1_body, n_edges=n_edges, te=te, scale=scale),
        grid=(grid,),
        in_specs=specs,
        out_specs=[pl.BlockSpec((te, 256), lambda i: (i, 0)),
                   pl.BlockSpec((te, 8), lambda i: (i, 0))],
        out_shape=[jax.ShapeDtypeStruct((ep, 256), jnp.float32),
                   jax.ShapeDtypeStruct((ep, 8), jnp.float32)],
        name="edge_layer1",
    )(gs, gd, *wts)


def _edge2_body(hs_ref, aux_ref, w01_ref, w24_ref, w3_ref, feat_ref,
                *, n_edges, te, scale):
    p = pl.program_id(0)
    hs = hs_ref[...]
    aux = aux_ref[...]
    h0 = hs[:, 0:64]
    h1 = [hs[:, 64 + 64 * k:128 + 64 * k] for k in range(3)]
    n = [aux[:, k:k + 1] for k in range(3)]
    g0, g1, g2, g3, g4 = (aux[:, 3 + j:4 + j] for j in range(5))

    hw01 = jnp.dot(h0, w01_ref[...], preferred_element_type=jnp.float32, precision=lax.Precision.HIGHEST)
    hk = [jnp.dot(h1[k], w24_ref[...], preferred_element_type=jnp.float32, precision=lax.Precision.HIGHEST)
          for k in range(3)]
    p110 = h1[0] * n[0] + h1[1] * n[1] + h1[2] * n[2]
    p3 = jnp.dot(p110, w3_ref[...], preferred_element_type=jnp.float32, precision=lax.Precision.HIGHEST)

    row = p * te + lax.broadcasted_iota(jnp.int32, (te, 1), 0)
    mask = (row < n_edges).astype(jnp.float32) * scale
    out0 = (g0 * hw01[:, 0:64] + g3 * p3) * mask
    b = g1 * hw01[:, 64:128]
    o1 = []
    for k in range(3):
        k1, k2 = (k + 1) % 3, (k + 2) % 3
        o1.append((n[k] * b + g2 * hk[k][:, 0:64]
                   + g4 * (n[k2] * hk[k1][:, 64:128] - n[k1] * hk[k2][:, 64:128]))
                  * mask)
    feat_ref[:, 0:128] = jnp.concatenate([out0, o1[0]], axis=1)
    feat_ref[:, 128:256] = jnp.concatenate([o1[1], o1[2]], axis=1)


def _edge2(hs, aux, w01, w24, w3, ep, te, n_edges, scale):
    grid = ep // te
    full = lambda shape: pl.BlockSpec(shape, lambda i: (0,) * len(shape))
    return pl.pallas_call(
        functools.partial(_edge2_body, n_edges=n_edges, te=te, scale=scale),
        grid=(grid,),
        in_specs=[pl.BlockSpec((te, 256), lambda i: (i, 0)),
                  pl.BlockSpec((te, 8), lambda i: (i, 0)),
                  full(w01.shape), full(w24.shape), full(w3.shape)],
        out_specs=pl.BlockSpec((te, 256), lambda i: (i, 0)),
        out_shape=jax.ShapeDtypeStruct((ep, 256), jnp.float32),
        name="edge_layer2",
    )(hs, aux, w01, w24, w3)



_CHUNK = 128


def _make_gather(n_rows, d, ep):
    del n_rows
    nw = 32
    per_w = ep // nw
    iters2 = per_w // (2 * _CHUNK)
    mesh = plsc.VectorSubcoreMesh(core_axis_name="c", subcore_axis_name="s")
    cp = (pltpu.CompilerParams(use_tc_tiling_on_sc=False) if d % 128 else None)

    @functools.partial(
        pl.kernel, mesh=mesh,
        out_type=jax.ShapeDtypeStruct((ep, d), jnp.float32),
        scratch_types=[pltpu.VMEM((_CHUNK,), jnp.int32),
                       pltpu.VMEM((_CHUNK,), jnp.int32),
                       pltpu.VMEM((_CHUNK, d), jnp.float32),
                       pltpu.VMEM((_CHUNK, d), jnp.float32)]
                      + [pltpu.SemaphoreType.DMA] * 6,
        compiler_params=cp,
        name=f"sc_gather_d{d}",
    )
    def gk(table, idx, out, ia, ib, ra, rb, s0, s1, s2, s3, s4, s5):
        wid = lax.axis_index("s") * 2 + lax.axis_index("c")
        base0 = pl.multiple_of(wid * per_w, _CHUNK)

        def body(t, carry):
            ba = pl.multiple_of(base0 + (2 * t) * _CHUNK, _CHUNK)
            bb = pl.multiple_of(base0 + (2 * t + 1) * _CHUNK, _CHUNK)
            ca = pltpu.async_copy(idx.at[pl.ds(ba, _CHUNK)], ia, s0)
            cb = pltpu.async_copy(idx.at[pl.ds(bb, _CHUNK)], ib, s1)
            ca.wait()
            ga = pltpu.async_copy(table.at[ia], ra, s2)
            cb.wait()
            gb = pltpu.async_copy(table.at[ib], rb, s3)
            ga.wait()
            wa = pltpu.async_copy(ra, out.at[pl.ds(ba, _CHUNK)], s4)
            gb.wait()
            wb = pltpu.async_copy(rb, out.at[pl.ds(bb, _CHUNK)], s5)
            wa.wait()
            wb.wait()
            return carry

        lax.fori_loop(0, iters2, body, 0)

    return gk


def _make_gather2(d, ep):
    nw = 32
    per_w = ep // nw
    iters = per_w // _CHUNK
    mesh = plsc.VectorSubcoreMesh(core_axis_name="c", subcore_axis_name="s")

    @functools.partial(
        pl.kernel, mesh=mesh,
        out_type=[jax.ShapeDtypeStruct((ep, d), jnp.float32)] * 2,
        scratch_types=[pltpu.VMEM((_CHUNK,), jnp.int32),
                       pltpu.VMEM((_CHUNK,), jnp.int32),
                       pltpu.VMEM((_CHUNK, d), jnp.float32),
                       pltpu.VMEM((_CHUNK, d), jnp.float32)]
                      + [pltpu.SemaphoreType.DMA] * 6,
        compiler_params=pltpu.CompilerParams(use_tc_tiling_on_sc=False),
        name=f"sc_gather2_d{d}",
    )
    def gk(table, isrc, idst, osrc, odst, ia, ib, ra, rb, s0, s1, s2, s3, s4, s5):
        wid = lax.axis_index("s") * 2 + lax.axis_index("c")
        base0 = pl.multiple_of(wid * per_w, _CHUNK)

        def body(t, carry):
            b = pl.multiple_of(base0 + t * _CHUNK, _CHUNK)
            ca = pltpu.async_copy(isrc.at[pl.ds(b, _CHUNK)], ia, s0)
            cb = pltpu.async_copy(idst.at[pl.ds(b, _CHUNK)], ib, s1)
            ca.wait()
            ga = pltpu.async_copy(table.at[ia], ra, s2)
            cb.wait()
            gb = pltpu.async_copy(table.at[ib], rb, s3)
            ga.wait()
            wa = pltpu.async_copy(ra, osrc.at[pl.ds(b, _CHUNK)], s4)
            gb.wait()
            wb = pltpu.async_copy(rb, odst.at[pl.ds(b, _CHUNK)], s5)
            wa.wait()
            wb.wait()
            return carry

        lax.fori_loop(0, iters, body, 0)

    return gk


def _make_scatter(np_, ep):
    ns = 16
    per_s = ep // ns
    iters = per_s // _CHUNK
    dh = 128
    rows_per_s = np_ // ns
    mesh = plsc.VectorSubcoreMesh(core_axis_name="c", subcore_axis_name="s")

    @functools.partial(
        pl.kernel, mesh=mesh,
        out_type=jax.ShapeDtypeStruct((np_, 256), jnp.float32),
        scratch_types=[pltpu.VMEM((_CHUNK,), jnp.int32),
                       pltpu.VMEM((_CHUNK,), jnp.int32),
                       pltpu.VMEM((_CHUNK, dh), jnp.float32),
                       pltpu.VMEM((_CHUNK, dh), jnp.float32),
                       pltpu.VMEM_SHARED((np_, dh), jnp.float32)]
                      + [pltpu.SemaphoreType.DMA] * 6,
        name="sc_scatter_add",
    )
    def sk(feat, dst, zeros, out, ia, ib, ra, rb, acc, s0, s1, s2, s3, s4, s5):
        c = lax.axis_index("c")
        s = lax.axis_index("s")
        row0 = pl.multiple_of(s * rows_per_s, 8)
        pltpu.sync_copy(zeros, acc.at[pl.ds(row0, rows_per_s)])
        plsc.subcore_barrier()

        col0 = pl.multiple_of(c * dh, dh)
        base0 = pl.multiple_of(s * per_s, _CHUNK)

        def body(t, carry):
            ba = pl.multiple_of(base0 + (2 * t) * _CHUNK, _CHUNK)
            bb = pl.multiple_of(base0 + (2 * t + 1) * _CHUNK, _CHUNK)
            da = pltpu.async_copy(dst.at[pl.ds(ba, _CHUNK)], ia, s0)
            db = pltpu.async_copy(dst.at[pl.ds(bb, _CHUNK)], ib, s1)
            fa = pltpu.async_copy(feat.at[pl.ds(ba, _CHUNK), pl.ds(col0, dh)],
                                  ra, s2)
            fb = pltpu.async_copy(feat.at[pl.ds(bb, _CHUNK), pl.ds(col0, dh)],
                                  rb, s3)
            da.wait()
            fa.wait()
            sa = pltpu.async_copy(ra, acc.at[ia], s4, add=True)
            db.wait()
            fb.wait()
            sb = pltpu.async_copy(rb, acc.at[ib], s5, add=True)
            sa.wait()
            sb.wait()
            return carry

        lax.fori_loop(0, iters // 2, body, 0)
        plsc.subcore_barrier()
        pltpu.sync_copy(acc.at[pl.ds(row0, rows_per_s)],
                        out.at[pl.ds(row0, rows_per_s), pl.ds(col0, dh)])

    return sk



def _round_up(x, m):
    return (x + m - 1) // m * m


def kernel(pos, A, batch, edge_src, edge_dst, edge_shifts, cell, emb_table,
           am_W1, am_b1, am_W2, am_b2,
           fc1_W1, fc1_b1, fc1_W2, fc1_b2, fc1_W3, fc1_b3, tp1_W,
           fc2_W1, fc2_b1, fc2_W2, fc2_b2, fc2_W3, fc2_b3, tp2_W):
    n = pos.shape[0]
    e = edge_src.shape[0]
    nb = 512
    te = 2048
    np_ = _round_up(n, 10240)
    ep = _round_up(e, 20480)
    avg = e / max(n, 1)
    scale = 1.0 / max(avg, 1e-8)

    f32 = jnp.float32
    a_pad = jnp.pad(A.astype(f32), (0, np_ - n), constant_values=15.0)
    a3 = a_pad.reshape(np_ // nb, nb, 1)
    pos_p = jnp.pad(pos.astype(f32), ((0, np_ - n), (0, 0)))
    emb_pad = jnp.pad(emb_table.astype(f32), ((0, 6), (0, 0)))
    row2 = lambda b: b.astype(f32).reshape(1, -1)

    g_table = _node_table(a3, pos_p, emb_pad, am_W1.astype(f32), row2(am_b1),
                          am_W2.astype(f32), row2(am_b2), np_, nb)

    srcp = jnp.pad(edge_src.astype(jnp.int32), (0, ep - e))
    dstp = jnp.pad(edge_dst.astype(jnp.int32), (0, ep - e))

    gather16 = _make_gather2(16, ep)
    gs, gd = gather16(g_table, srcp, dstp)

    w1c = jnp.concatenate([fc1_W1, fc2_W1], axis=1).astype(f32)
    b1c = jnp.concatenate([fc1_b1, fc2_b1]).astype(f32).reshape(1, 128)
    z64 = jnp.zeros((64, 64), f32)
    w2d = jnp.block([[fc1_W2.astype(f32), z64], [z64, fc2_W2.astype(f32)]])
    b2d = jnp.concatenate([fc1_b2, fc2_b2]).astype(f32).reshape(1, 128)
    pad5 = lambda w: jnp.pad(w.astype(f32), ((0, 0), (0, 11)))
    z6416 = jnp.zeros((64, 16), f32)
    w3d = jnp.block([[pad5(fc1_W3), z6416], [z6416, pad5(fc2_W3)]])
    b3d = jnp.concatenate([jnp.pad(fc1_b3.astype(f32), (0, 11)),
                           jnp.pad(fc2_b3.astype(f32), (0, 11))]).reshape(1, 32)
    wall = jnp.concatenate([tp1_W[0], tp1_W[1], tp1_W[2], tp1_W[3]],
                           axis=1).astype(f32)
    wts = [w1c, b1c, w2d, b2d, w3d, b3d, wall]
    feat1, aux = _edge1(gs, gd, wts, ep, te, e, scale)

    scatter = _make_scatter(np_, ep)
    zeros = jnp.zeros((np_ // 16, 128), f32)
    node1p = scatter(feat1, dstp, zeros)

    gather256 = _make_gather(np_, 256, ep)
    hs = gather256(node1p, srcp)

    w01 = jnp.concatenate([tp2_W[0], tp2_W[1]], axis=1).astype(f32)
    w24 = jnp.concatenate([tp2_W[2], tp2_W[4]], axis=1).astype(f32)
    w3 = tp2_W[3].astype(f32)
    feat2 = _edge2(hs, aux, w01, w24, w3, ep, te, e, scale)
    node2p = scatter(feat2, dstp, zeros)

    def deplanarize(x):
        vec = x[:n, 64:].reshape(n, 3, 64).transpose(0, 2, 1).reshape(n, 192)
        return jnp.concatenate([x[:n, :64], vec], axis=1)

    return jnp.concatenate([deplanarize(node1p), deplanarize(node2p)], axis=1)

# --- scband reference (transcript-rebuilt; emitter-appended) ---
"""Pipeline reference for scband-pure-cartesian-ictdtransformer-layer-26628797235370 (READ-ONLY COPY).

The authoritative reference and input builder live on the scoring server;
editing this copy changes nothing except your own understanding.
"""

import jax, jax.numpy as jnp
import numpy as np

N_NODES = 10000
N_EDGES = 160000
N_GRAPHS = 16
CH = 64
M1 = 8
NB = 16
RMAX = 5.0
NPATH = 5

def _silu(x):
    return x * jax.nn.sigmoid(x)

def _soft_one_hot(x):
    values = jnp.linspace(0.0, RMAX, NB + 2)[1:-1]
    step = values[1] - values[0]
    diff = (x[:, None] - values[None, :]) / step
    return jnp.exp(-diff ** 2) / 1.12

def _mlp3(x, W1, b1, W2, b2, W3, b3):
    return _silu(_silu(x @ W1 + b1) @ W2 + b2) @ W3 + b3

def _harmonic_tp(f0, f1, y1, g, W):
    # paths for lmax=1: (0,0,0),(0,1,1),(1,0,1),(1,1,0),(1,1,1)
    p000 = f0
    p110 = jnp.sum(f1 * y1[:, None, :], axis=-1)
    out0 = jnp.einsum('em,mc->ec', g[:, 0:1] * p000, W[0]) + jnp.einsum('em,mc->ec', g[:, 3:4] * p110, W[3])
    p011 = f0[:, :, None] * y1[:, None, :]
    p101 = f1
    y1b = jnp.broadcast_to(y1[:, None, :], f1.shape)
    p111 = jnp.cross(f1, y1b)
    out1 = jnp.einsum('emk,mc->eck', g[:, 1:2, None] * p011, W[1]) + jnp.einsum('emk,mc->eck', g[:, 2:3, None] * p101, W[2]) + jnp.einsum('emk,mc->eck', g[:, 4:5, None] * p111, W[4])
    return out0, out1

def _forward(pos, edge_shifts, cell, emb_table, am_W1, am_b1, am_W2, am_b2, fc1_W1, fc1_b1, fc1_W2, fc1_b2, fc1_W3, fc1_b3, tp1_W, fc2_W1, fc2_b1, fc2_W2, fc2_b2, fc2_W3, fc2_b3, tp2_W, A, batch, edge_src, edge_dst):
    num_nodes = pos.shape[0]
    edge_batch = batch[edge_src]
    edge_cells = cell[edge_batch]
    shift_vecs = jnp.einsum('ni,nij->nj', edge_shifts, edge_cells)
    edge_vec = pos[edge_dst] - pos[edge_src] + shift_vecs
    edge_length = jnp.linalg.norm(edge_vec, axis=1)
    n = edge_vec / jnp.clip(edge_length, 1e-8)[:, None]
    Ai = _silu(emb_table[A] @ am_W1 + am_b1) @ am_W2 + am_b2
    Ai_e = Ai[edge_src]
    emb = _soft_one_hot(edge_length) * (NB ** 0.5)
    gates1 = _mlp3(emb, fc1_W1, fc1_b1, fc1_W2, fc1_b2, fc1_W3, fc1_b3)
    f0 = Ai_e
    f1 = Ai_e[:, :, None] * n[:, None, :]
    o0, o1 = _harmonic_tp(f0, f1, n, gates1, tp1_W)
    edge_feat = jnp.concatenate([o0, o1.reshape(o1.shape[0], -1)], axis=-1)
    avg = edge_src.shape[0] / max(num_nodes, 1)
    node1 = jax.ops.segment_sum(edge_feat, edge_dst, num_segments=num_nodes) / max(avg, 1e-8)
    h0 = node1[:, :CH]
    h1 = node1[:, CH:].reshape(num_nodes, CH, 3)
    gates2 = _mlp3(emb, fc2_W1, fc2_b1, fc2_W2, fc2_b2, fc2_W3, fc2_b3)
    o0b, o1b = _harmonic_tp(h0[edge_src], h1[edge_src], n, gates2, tp2_W)
    edge_feat2 = jnp.concatenate([o0b, o1b.reshape(o1b.shape[0], -1)], axis=-1)
    node2 = jax.ops.segment_sum(edge_feat2, edge_dst, num_segments=num_nodes) / max(avg, 1e-8)
    return jnp.concatenate([node1, node2], axis=-1)

def setup_inputs(seed: int = 0) -> dict:
    key = jax.random.key(seed)
    ks = [jax.random.fold_in(key, i) for i in range(40)]
    inp = {}
    inp['pos'] = jax.random.normal(ks[0], (N_NODES, 3), dtype=jnp.float32)
    inp['A'] = jax.random.randint(ks[1], (N_NODES,), 0, 10)
    inp['batch'] = jnp.sort(jax.random.randint(ks[2], (N_NODES,), 0, N_GRAPHS))
    inp['edge_src'] = jax.random.randint(ks[3], (N_EDGES,), 0, N_NODES)
    inp['edge_dst'] = jax.random.randint(ks[4], (N_EDGES,), 0, N_NODES)
    inp['edge_shifts'] = jnp.zeros((N_EDGES, 3), dtype=jnp.float32)
    inp['cell'] = jax.random.normal(ks[5], (N_GRAPHS, 3, 3), dtype=jnp.float32)
    def w(k, shape, fan_in):
        return jax.random.normal(k, shape, dtype=jnp.float32) / (fan_in ** 0.5)
    inp['emb_table'] = jax.random.normal(ks[6], (10, 16), dtype=jnp.float32)
    inp['am_W1'] = w(ks[7], (16, 64), 16); inp['am_b1'] = jnp.zeros((64,), jnp.float32)
    inp['am_W2'] = w(ks[8], (64, M1), 64); inp['am_b2'] = jnp.zeros((M1,), jnp.float32)
    inp['fc1_W1'] = w(ks[9], (NB, 64), NB); inp['fc1_b1'] = jnp.zeros((64,), jnp.float32)
    inp['fc1_W2'] = w(ks[10], (64, 64), 64); inp['fc1_b2'] = jnp.zeros((64,), jnp.float32)
    inp['fc1_W3'] = w(ks[11], (64, NPATH), 64); inp['fc1_b3'] = jnp.zeros((NPATH,), jnp.float32)
    inp['tp1_W'] = w(ks[12], (NPATH, M1, CH), M1)
    inp['fc2_W1'] = w(ks[13], (NB, 64), NB); inp['fc2_b1'] = jnp.zeros((64,), jnp.float32)
    inp['fc2_W2'] = w(ks[14], (64, 64), 64); inp['fc2_b2'] = jnp.zeros((64,), jnp.float32)
    inp['fc2_W3'] = w(ks[15], (64, NPATH), 64); inp['fc2_b3'] = jnp.zeros((NPATH,), jnp.float32)
    inp['tp2_W'] = w(ks[16], (NPATH, CH, CH), CH)
    return inp

def reference(pos, A, batch, edge_src, edge_dst, edge_shifts, cell, emb_table, am_W1, am_b1, am_W2, am_b2, fc1_W1, fc1_b1, fc1_W2, fc1_b2, fc1_W3, fc1_b3, tp1_W, fc2_W1, fc2_b1, fc2_W2, fc2_b2, fc2_W3, fc2_b3, tp2_W):
    return _forward(pos, edge_shifts, cell, emb_table, am_W1, am_b1, am_W2, am_b2, fc1_W1, fc1_b1, fc1_W2, fc1_b2, fc1_W3, fc1_b3, tp1_W, fc2_W1, fc2_b1, fc2_W2, fc2_b2, fc2_W3, fc2_b3, tp2_W, A, batch, edge_src, edge_dst)

if __name__ == "__main__":
    import jax
    _d = setup_inputs()
    print(jax.jit(kernel)(*tuple(_d.values())))

</pallas_src>

<mosaic_0001>
#map = affine_map<(d0, d1) -> (0, 0)>
#map1 = affine_map<(d0, d1) -> (0)>
module attributes {stable_mosaic.version = 14 : i64} {
  func.func @sc_scatter_add(%arg0: i32, %arg1: i32, %arg2: memref<163840x256xf32, #tpu.memory_space<hbm>>, %arg3: memref<163840xi32, #tpu.memory_space<hbm>>, %arg4: memref<640x128xf32, #tpu.memory_space<hbm>>, %arg5: memref<10240x256xf32, #tpu.memory_space<hbm>>, %arg6: memref<128xi32, #tpu.memory_space<vmem>>, %arg7: memref<128xi32, #tpu.memory_space<vmem>>, %arg8: memref<128x128xf32, #tpu.memory_space<vmem>>, %arg9: memref<128x128xf32, #tpu.memory_space<vmem>>, %arg10: memref<10240x128xf32, #tpu.memory_space<vmem_shared>>, %arg11: memref<!tpu.dma_semaphore, #tpu.memory_space<semaphore_mem>>, %arg12: memref<!tpu.dma_semaphore, #tpu.memory_space<semaphore_mem>>, %arg13: memref<!tpu.dma_semaphore, #tpu.memory_space<semaphore_mem>>, %arg14: memref<!tpu.dma_semaphore, #tpu.memory_space<semaphore_mem>>, %arg15: memref<!tpu.dma_semaphore, #tpu.memory_space<semaphore_mem>>, %arg16: memref<!tpu.dma_semaphore, #tpu.memory_space<semaphore_mem>>) attributes {dimension_semantics = [#tpu.dimension_semantics<core_parallel>, #tpu.dimension_semantics<subcore_parallel>], iteration_bounds = array<i64: 2, 16>, scalar_prefetch = 0 : i64, scratch_operands = 11 : i64, tpu.core_type = #tpu.core_type<sc_vector_subcore>, window_params = [{transform_indices = #map}, {transform_indices = #map1}, {transform_indices = #map}, {transform_indices = #map}]} {
    %mul3A = arith.constant 640 : i32
    %mul3A_0 = arith.muli %arg1, %mul3A : i32
    %multiple_of3A = tpu.assume_multiple %mul3A_0, 8 : i32
    "tpu.region"() ({
      %run_scoped3A = tpu.sem_alloc : memref<!tpu.dma_semaphore, #tpu.memory_space<semaphore_mem>>
      %dma_start3A = arith.constant 0 : i32
      %dma_start3A_13 = tpu.memref_slice %arg10[%multiple_of3A, %dma_start3A] : memref<10240x128xf32, #tpu.memory_space<vmem_shared>> -> memref<640x128xf32, #tpu.memory_space<vmem_shared>>
      tpu.enqueue_dma source(%arg4 : memref<640x128xf32, #tpu.memory_space<hbm>>) target(%dma_start3A_13 : memref<640x128xf32, #tpu.memory_space<vmem_shared>>) target_semaphore(%run_scoped3A : memref<!tpu.dma_semaphore, #tpu.memory_space<semaphore_mem>>)
      %dma_wait3A = arith.constant 0 : i32
      %dma_wait3A_14 = tpu.memref_slice %arg10[%multiple_of3A, %dma_wait3A] : memref<10240x128xf32, #tpu.memory_space<vmem_shared>> -> memref<640x128xf32, #tpu.memory_space<vmem_shared>>
      tpu.wait_dma2 semaphore(%run_scoped3A : memref<!tpu.dma_semaphore, #tpu.memory_space<semaphore_mem>>) src(%arg4 : memref<640x128xf32, #tpu.memory_space<hbm>>) dst(%dma_wait3A_14 : memref<640x128xf32, #tpu.memory_space<vmem_shared>>)
      tpu.yield
    }) : () -> ()
    %barrier3A = arith.constant 0 : index
    tpu.barrier barrier_id(%barrier3A)
    %mul3A_1 = arith.constant 128 : i32
    %mul3A_2 = arith.muli %arg0, %mul3A_1 : i32
    %multiple_of3A_3 = tpu.assume_multiple %mul3A_2, 128 : i32
    %mul3A_4 = arith.constant 10240 : i32
    %mul3A_5 = arith.muli %arg1, %mul3A_4 : i32
    %multiple_of3A_6 = tpu.assume_multiple %mul3A_5, 128 : i32
    %scan3A = arith.constant 0 : i32
    %scan3A_7 = arith.constant 0 : i32
    %scan3A_8 = arith.constant 40 : i32
    %scan3A_9 = arith.addi %scan3A_7, %scan3A_8 : i32
    %scan3A_10 = arith.constant 1 : i32
    scf.for %scan3A_13 = %scan3A_7 to %scan3A_9 step %scan3A_10  : i32 {
      %mul3A_14 = arith.constant 2 : i32
      %mul3A_15 = arith.muli %mul3A_14, %scan3A_13 : i32
      %mul3A_16 = arith.constant 128 : i32
      %mul3A_17 = arith.muli %mul3A_15, %mul3A_16 : i32
      %add3A = arith.addi %multiple_of3A_6, %mul3A_17 : i32
      %multiple_of3A_18 = tpu.assume_multiple %add3A, 128 : i32
      %mul3A_19 = arith.constant 2 : i32
      %mul3A_20 = arith.muli %mul3A_19, %scan3A_13 : i32
      %add3A_21 = arith.constant 1 : i32
      %add3A_22 = arith.addi %mul3A_20, %add3A_21 : i32
      %mul3A_23 = arith.constant 128 : i32
      %mul3A_24 = arith.muli %add3A_22, %mul3A_23 : i32
      %add3A_25 = arith.addi %multiple_of3A_6, %mul3A_24 : i32
      %multiple_of3A_26 = tpu.assume_multiple %add3A_25, 128 : i32
      %dma_start3A = tpu.memref_slice %arg3[%multiple_of3A_18] : memref<163840xi32, #tpu.memory_space<hbm>> -> memref<128xi32, #tpu.memory_space<hbm>>
      %dma_start3A_27 = tpu.memref_slice %arg3[%multiple_of3A_18] : memref<163840xi32, #tpu.memory_space<hbm>> -> memref<128xi32, #tpu.memory_space<hbm>>
      tpu.enqueue_dma source(%dma_start3A_27 : memref<128xi32, #tpu.memory_space<hbm>>) target(%arg6 : memref<128xi32, #tpu.memory_space<vmem>>) target_semaphore(%arg11 : memref<!tpu.dma_semaphore, #tpu.memory_space<semaphore_mem>>)
      %dma_start3A_28 = tpu.memref_slice %arg3[%multiple_of3A_26] : memref<163840xi32, #tpu.memory_space<hbm>> -> memref<128xi32, #tpu.memory_space<hbm>>
      %dma_start3A_29 = tpu.memref_slice %arg3[%multiple_of3A_26] : memref<163840xi32, #tpu.memory_space<hbm>> -> memref<128xi32, #tpu.memory_space<hbm>>
      tpu.enqueue_dma source(%dma_start3A_29 : memref<128xi32, #tpu.memory_space<hbm>>) target(%arg7 : memref<128xi32, #tpu.memory_space<vmem>>) target_semaphore(%arg12 : memref<!tpu.dma_semaphore, #tpu.memory_space<semaphore_mem>>)
      %dma_start3A_30 = tpu.memref_slice %arg2[%multiple_of3A_18, %multiple_of3A_3] : memref<163840x256xf32, #tpu.memory_space<hbm>> -> memref<128x128xf32, #tpu.memory_space<hbm>>
      %dma_start3A_31 = tpu.memref_slice %arg2[%multiple_of3A_18, %multiple_of3A_3] : memref<163840x256xf32, #tpu.memory_space<hbm>> -> memref<128x128xf32, #tpu.memory_space<hbm>>
      tpu.enqueue_dma source(%dma_start3A_31 : memref<128x128xf32, #tpu.memory_space<hbm>>) target(%arg8 : memref<128x128xf32, #tpu.memory_space<vmem>>) target_semaphore(%arg13 : memref<!tpu.dma_semaphore, #tpu.memory_space<semaphore_mem>>)
      %dma_start3A_32 = tpu.memref_slice %arg2[%multiple_of3A_26, %multiple_of3A_3] : memref<163840x256xf32, #tpu.memory_space<hbm>> -> memref<128x128xf32, #tpu.memory_space<hbm>>
      %dma_start3A_33 = tpu.memref_slice %arg2[%multiple_of3A_26, %multiple_of3A_3] : memref<163840x256xf32, #tpu.memory_space<hbm>> -> memref<128x128xf32, #tpu.memory_space<hbm>>
      tpu.enqueue_dma source(%dma_start3A_33 : memref<128x128xf32, #tpu.memory_space<hbm>>) target(%arg9 : memref<128x128xf32, #tpu.memory_space<vmem>>) target_semaphore(%arg14 : memref<!tpu.dma_semaphore, #tpu.memory_space<semaphore_mem>>)
      %dma_wait3A = tpu.memref_slice %arg3[%multiple_of3A_18] : memref<163840xi32, #tpu.memory_space<hbm>> -> memref<128xi32, #tpu.memory_space<hbm>>
      %dma_wait3A_34 = tpu.memref_slice %arg3[%multiple_of3A_18] : memref<163840xi32, #tpu.memory_space<hbm>> -> memref<128xi32, #tpu.memory_space<hbm>>
      tpu.wait_dma2 semaphore(%arg11 : memref<!tpu.dma_semaphore, #tpu.memory_space<semaphore_mem>>) src(%dma_wait3A_34 : memref<128xi32, #tpu.memory_space<hbm>>) dst(%arg6 : memref<128xi32, #tpu.memory_space<vmem>>)
      %dma_wait3A_35 = tpu.memref_slice %arg2[%multiple_of3A_18, %multiple_of3A_3] : memref<163840x256xf32, #tpu.memory_space<hbm>> -> memref<128x128xf32, #tpu.memory_space<hbm>>
      %dma_wait3A_36 = tpu.memref_slice %arg2[%multiple_of3A_18, %multiple_of3A_3] : memref<163840x256xf32, #tpu.memory_space<hbm>> -> memref<128x128xf32, #tpu.memory_space<hbm>>
      tpu.wait_dma2 semaphore(%arg13 : memref<!tpu.dma_semaphore, #tpu.memory_space<semaphore_mem>>) src(%dma_wait3A_36 : memref<128x128xf32, #tpu.memory_space<hbm>>) dst(%arg8 : memref<128x128xf32, #tpu.memory_space<vmem>>)
      %dma_start3A_37 = arith.constant 0 : i32
      %dma_start3A_38 = arith.constant 0 : i32
      %dma_start3A_39 = tpu.memref_slice %arg10[%dma_start3A_37, %dma_start3A_38] : memref<10240x128xf32, #tpu.memory_space<vmem_shared>> -> memref<10240x128xf32, #tpu.memory_space<vmem_shared>>
      tpu.enqueue_indirect_dma source(%arg8 : memref<128x128xf32, #tpu.memory_space<vmem>>) target(%dma_start3A_39 : memref<10240x128xf32, #tpu.memory_space<vmem_shared>>) offsets(%arg6 : memref<128xi32, #tpu.memory_space<vmem>>) semaphore(%arg15 : memref<!tpu.dma_semaphore, #tpu.memory_space<semaphore_mem>>) {add = true}
      %dma_wait3A_40 = tpu.memref_slice %arg3[%multiple_of3A_26] : memref<163840xi32, #tpu.memory_space<hbm>> -> memref<128xi32, #tpu.memory_space<hbm>>
      %dma_wait3A_41 = tpu.memref_slice %arg3[%multiple_of3A_26] : memref<163840xi32, #tpu.memory_space<hbm>> -> memref<128xi32, #tpu.memory_space<hbm>>
      tpu.wait_dma2 semaphore(%arg12 : memref<!tpu.dma_semaphore, #tpu.memory_space<semaphore_mem>>) src(%dma_wait3A_41 : memref<128xi32, #tpu.memory_space<hbm>>) dst(%arg7 : memref<128xi32, #tpu.memory_space<vmem>>)
      %dma_wait3A_42 = tpu.memref_slice %arg2[%multiple_of3A_26, %multiple_of3A_3] : memref<163840x256xf32, #tpu.memory_space<hbm>> -> memref<128x128xf32, #tpu.memory_space<hbm>>
      %dma_wait3A_43 = tpu.memref_slice %arg2[%multiple_of3A_26, %multiple_of3A_3] : memref<163840x256xf32, #tpu.memory_space<hbm>> -> memref<128x128xf32, #tpu.memory_space<hbm>>
      tpu.wait_dma2 semaphore(%arg14 : memref<!tpu.dma_semaphore, #tpu.memory_space<semaphore_mem>>) src(%dma_wait3A_43 : memref<128x128xf32, #tpu.memory_space<hbm>>) dst(%arg9 : memref<128x128xf32, #tpu.memory_space<vmem>>)
      %dma_start3A_44 = arith.constant 0 : i32
      %dma_start3A_45 = arith.constant 0 : i32
      %dma_start3A_46 = tpu.memref_slice %arg10[%dma_start3A_44, %dma_start3A_45] : memref<10240x128xf32, #tpu.memory_space<vmem_shared>> -> memref<10240x128xf32, #tpu.memory_space<vmem_shared>>
      tpu.enqueue_indirect_dma source(%arg9 : memref<128x128xf32, #tpu.memory_space<vmem>>) target(%dma_start3A_46 : memref<10240x128xf32, #tpu.memory_space<vmem_shared>>) offsets(%arg7 : memref<128xi32, #tpu.memory_space<vmem>>) semaphore(%arg16 : memref<!tpu.dma_semaphore, #tpu.memory_space<semaphore_mem>>) {add = true}
      %dma_wait3A_47 = arith.constant 0 : i32
      %dma_wait3A_48 = arith.constant 0 : i32
      %dma_wait3A_49 = tpu.memref_slice %arg10[%dma_wait3A_47, %dma_wait3A_48] : memref<10240x128xf32, #tpu.memory_space<vmem_shared>> -> memref<10240x128xf32, #tpu.memory_space<vmem_shared>>
      tpu.wait_indirect_dma semaphore(%arg15 : memref<!tpu.dma_semaphore, #tpu.memory_space<semaphore_mem>>) src(%arg8 : memref<128x128xf32, #tpu.memory_space<vmem>>) dst(%dma_wait3A_49 : memref<10240x128xf32, #tpu.memory_space<vmem_shared>>)
      %dma_wait3A_50 = arith.constant 0 : i32
      %dma_wait3A_51 = arith.constant 0 : i32
      %dma_wait3A_52 = tpu.memref_slice %arg10[%dma_wait3A_50, %dma_wait3A_51] : memref<10240x128xf32, #tpu.memory_space<vmem_shared>> -> memref<10240x128xf32, #tpu.memory_space<vmem_shared>>
      tpu.wait_indirect_dma semaphore(%arg16 : memref<!tpu.dma_semaphore, #tpu.memory_space<semaphore_mem>>) src(%arg9 : memref<128x128xf32, #tpu.memory_space<vmem>>) dst(%dma_wait3A_52 : memref<10240x128xf32, #tpu.memory_space<vmem_shared>>)
    }
    %scan3A_11 = arith.constant 40 : i32
    %barrier3A_12 = arith.constant 0 : index
    tpu.barrier barrier_id(%barrier3A_12)
    "tpu.region"() ({
      %run_scoped3A = tpu.sem_alloc : memref<!tpu.dma_semaphore, #tpu.memory_space<semaphore_mem>>
      %dma_start3A = tpu.memref_slice %arg5[%multiple_of3A, %multiple_of3A_3] : memref<10240x256xf32, #tpu.memory_space<hbm>> -> memref<640x128xf32, #tpu.memory_space<hbm>>
      %dma_start3A_13 = arith.constant 0 : i32
      %dma_start3A_14 = tpu.memref_slice %arg10[%multiple_of3A, %dma_start3A_13] : memref<10240x128xf32, #tpu.memory_space<vmem_shared>> -> memref<640x128xf32, #tpu.memory_space<vmem_shared>>
      tpu.enqueue_dma source(%dma_start3A_14 : memref<640x128xf32, #tpu.memory_space<vmem_shared>>) target(%dma_start3A : memref<640x128xf32, #tpu.memory_space<hbm>>) target_semaphore(%run_scoped3A : memref<!tpu.dma_semaphore, #tpu.memory_space<semaphore_mem>>)
      %dma_wait3A = tpu.memref_slice %arg5[%multiple_of3A, %multiple_of3A_3] : memref<10240x256xf32, #tpu.memory_space<hbm>> -> memref<640x128xf32, #tpu.memory_space<hbm>>
      %dma_wait3A_15 = arith.constant 0 : i32
      %dma_wait3A_16 = tpu.memref_slice %arg10[%multiple_of3A, %dma_wait3A_15] : memref<10240x128xf32, #tpu.memory_space<vmem_shared>> -> memref<640x128xf32, #tpu.memory_space<vmem_shared>>
      tpu.wait_dma2 semaphore(%run_scoped3A : memref<!tpu.dma_semaphore, #tpu.memory_space<semaphore_mem>>) src(%dma_wait3A_16 : memref<640x128xf32, #tpu.memory_space<vmem_shared>>) dst(%dma_wait3A : memref<640x128xf32, #tpu.memory_space<hbm>>)
      tpu.yield
    }) : () -> ()
    return
  }
}

#map = affine_map<(d0, d1) -> (0, 0)>
#map1 = affine_map<(d0, d1) -> (0)>
module attributes {stable_mosaic.version = 14 : i64} {
  func.func @sc_gather2_d16(%arg0: i32, %arg1: i32, %arg2: memref<10240x16xf32, #tpu.memory_space<hbm>>, %arg3: memref<163840xi32, #tpu.memory_space<hbm>>, %arg4: memref<163840xi32, #tpu.memory_space<hbm>>, %arg5: memref<163840x16xf32, #tpu.memory_space<hbm>>, %arg6: memref<163840x16xf32, #tpu.memory_space<hbm>>, %arg7: memref<128xi32, #tpu.memory_space<vmem>>, %arg8: memref<128xi32, #tpu.memory_space<vmem>>, %arg9: memref<128x16xf32, #tpu.memory_space<vmem>>, %arg10: memref<128x16xf32, #tpu.memory_space<vmem>>, %arg11: memref<!tpu.dma_semaphore, #tpu.memory_space<semaphore_mem>>, %arg12: memref<!tpu.dma_semaphore, #tpu.memory_space<semaphore_mem>>, %arg13: memref<!tpu.dma_semaphore, #tpu.memory_space<semaphore_mem>>, %arg14: memref<!tpu.dma_semaphore, #tpu.memory_space<semaphore_mem>>, %arg15: memref<!tpu.dma_semaphore, #tpu.memory_space<semaphore_mem>>, %arg16: memref<!tpu.dma_semaphore, #tpu.memory_space<semaphore_mem>>) attributes {dimension_semantics = [#tpu.dimension_semantics<core_parallel>, #tpu.dimension_semantics<subcore_parallel>], iteration_bounds = array<i64: 2, 16>, scalar_prefetch = 0 : i64, scratch_operands = 10 : i64, tpu.core_type = #tpu.core_type<sc_vector_subcore>, window_params = [{transform_indices = #map}, {transform_indices = #map1}, {transform_indices = #map1}, {transform_indices = #map}, {transform_indices = #map}]} {
    %mul3A = arith.constant 2 : i32
    %mul3A_0 = arith.muli %arg1, %mul3A : i32
    %add3A = arith.addi %mul3A_0, %arg0 : i32
    %mul3A_1 = arith.constant 5120 : i32
    %mul3A_2 = arith.muli %add3A, %mul3A_1 : i32
    %multiple_of3A = tpu.assume_multiple %mul3A_2, 128 : i32
    %scan3A = arith.constant 0 : i32
    %scan3A_3 = arith.constant 0 : i32
    %scan3A_4 = arith.constant 40 : i32
    %scan3A_5 = arith.addi %scan3A_3, %scan3A_4 : i32
    %scan3A_6 = arith.constant 1 : i32
    scf.for %scan3A_8 = %scan3A_3 to %scan3A_5 step %scan3A_6  : i32 {
      %mul3A_9 = arith.constant 128 : i32
      %mul3A_10 = arith.muli %scan3A_8, %mul3A_9 : i32
      %add3A_11 = arith.addi %multiple_of3A, %mul3A_10 : i32
      %multiple_of3A_12 = tpu.assume_multiple %add3A_11, 128 : i32
      %dma_start3A = tpu.memref_slice %arg3[%multiple_of3A_12] : memref<163840xi32, #tpu.memory_space<hbm>> -> memref<128xi32, #tpu.memory_space<hbm>>
      %dma_start3A_13 = tpu.memref_slice %arg3[%multiple_of3A_12] : memref<163840xi32, #tpu.memory_space<hbm>> -> memref<128xi32, #tpu.memory_space<hbm>>
      tpu.enqueue_dma source(%dma_start3A_13 : memref<128xi32, #tpu.memory_space<hbm>>) target(%arg7 : memref<128xi32, #tpu.memory_space<vmem>>) target_semaphore(%arg11 : memref<!tpu.dma_semaphore, #tpu.memory_space<semaphore_mem>>)
      %dma_start3A_14 = tpu.memref_slice %arg4[%multiple_of3A_12] : memref<163840xi32, #tpu.memory_space<hbm>> -> memref<128xi32, #tpu.memory_space<hbm>>
      %dma_start3A_15 = tpu.memref_slice %arg4[%multiple_of3A_12] : memref<163840xi32, #tpu.memory_space<hbm>> -> memref<128xi32, #tpu.memory_space<hbm>>
      tpu.enqueue_dma source(%dma_start3A_15 : memref<128xi32, #tpu.memory_space<hbm>>) target(%arg8 : memref<128xi32, #tpu.memory_space<vmem>>) target_semaphore(%arg12 : memref<!tpu.dma_semaphore, #tpu.memory_space<semaphore_mem>>)
      %dma_wait3A = tpu.memref_slice %arg3[%multiple_of3A_12] : memref<163840xi32, #tpu.memory_space<hbm>> -> memref<128xi32, #tpu.memory_space<hbm>>
      %dma_wait3A_16 = tpu.memref_slice %arg3[%multiple_of3A_12] : memref<163840xi32, #tpu.memory_space<hbm>> -> memref<128xi32, #tpu.memory_space<hbm>>
      tpu.wait_dma2 semaphore(%arg11 : memref<!tpu.dma_semaphore, #tpu.memory_space<semaphore_mem>>) src(%dma_wait3A_16 : memref<128xi32, #tpu.memory_space<hbm>>) dst(%arg7 : memref<128xi32, #tpu.memory_space<vmem>>)
      %dma_start3A_17 = arith.constant 0 : i32
      %dma_start3A_18 = arith.constant 0 : i32
      %dma_start3A_19 = tpu.memref_slice %arg2[%dma_start3A_17, %dma_start3A_18] : memref<10240x16xf32, #tpu.memory_space<hbm>> -> memref<10240x16xf32, #tpu.memory_space<hbm>>
      tpu.enqueue_indirect_dma source(%dma_start3A_19 : memref<10240x16xf32, #tpu.memory_space<hbm>>) target(%arg9 : memref<128x16xf32, #tpu.memory_space<vmem>>) offsets(%arg7 : memref<128xi32, #tpu.memory_space<vmem>>) semaphore(%arg13 : memref<!tpu.dma_semaphore, #tpu.memory_space<semaphore_mem>>)
      %dma_wait3A_20 = tpu.memref_slice %arg4[%multiple_of3A_12] : memref<163840xi32, #tpu.memory_space<hbm>> -> memref<128xi32, #tpu.memory_space<hbm>>
      %dma_wait3A_21 = tpu.memref_slice %arg4[%multiple_of3A_12] : memref<163840xi32, #tpu.memory_space<hbm>> -> memref<128xi32, #tpu.memory_space<hbm>>
      tpu.wait_dma2 semaphore(%arg12 : memref<!tpu.dma_semaphore, #tpu.memory_space<semaphore_mem>>) src(%dma_wait3A_21 : memref<128xi32, #tpu.memory_space<hbm>>) dst(%arg8 : memref<128xi32, #tpu.memory_space<vmem>>)
      %dma_start3A_22 = arith.constant 0 : i32
      %dma_start3A_23 = arith.constant 0 : i32
      %dma_start3A_24 = tpu.memref_slice %arg2[%dma_start3A_22, %dma_start3A_23] : memref<10240x16xf32, #tpu.memory_space<hbm>> -> memref<10240x16xf32, #tpu.memory_space<hbm>>
      tpu.enqueue_indirect_dma source(%dma_start3A_24 : memref<10240x16xf32, #tpu.memory_space<hbm>>) target(%arg10 : memref<128x16xf32, #tpu.memory_space<vmem>>) offsets(%arg8 : memref<128xi32, #tpu.memory_space<vmem>>) semaphore(%arg14 : memref<!tpu.dma_semaphore, #tpu.memory_space<semaphore_mem>>)
      %dma_wait3A_25 = arith.constant 0 : i32
      %dma_wait3A_26 = arith.constant 0 : i32
      %dma_wait3A_27 = tpu.memref_slice %arg2[%dma_wait3A_25, %dma_wait3A_26] : memref<10240x16xf32, #tpu.memory_space<hbm>> -> memref<10240x16xf32, #tpu.memory_space<hbm>>
      tpu.wait_indirect_dma semaphore(%arg13 : memref<!tpu.dma_semaphore, #tpu.memory_space<semaphore_mem>>) src(%dma_wait3A_27 : memref<10240x16xf32, #tpu.memory_space<hbm>>) dst(%arg9 : memref<128x16xf32, #tpu.memory_space<vmem>>)
      %dma_start3A_28 = arith.constant 0 : i32
      %dma_start3A_29 = tpu.memref_slice %arg5[%multiple_of3A_12, %dma_start3A_28] : memref<163840x16xf32, #tpu.memory_space<hbm>> -> memref<128x16xf32, #tpu.memory_space<hbm>>
      %dma_start3A_30 = arith.constant 0 : i32
      %dma_start3A_31 = tpu.memref_slice %arg5[%multiple_of3A_12, %dma_start3A_30] : memref<163840x16xf32, #tpu.memory_space<hbm>> -> memref<128x16xf32, #tpu.memory_space<hbm>>
      tpu.enqueue_dma source(%arg9 : memref<128x16xf32, #tpu.memory_space<vmem>>) target(%dma_start3A_31 : memref<128x16xf32, #tpu.memory_space<hbm>>) target_semaphore(%arg15 : memref<!tpu.dma_semaphore, #tpu.memory_space<semaphore_mem>>)
      %dma_wait3A_32 = arith.constant 0 : i32
      %dma_wait3A_33 = arith.constant 0 : i32
      %dma_wait3A_34 = tpu.memref_slice %arg2[%dma_wait3A_32, %dma_wait3A_33] : memref<10240x16xf32, #tpu.memory_space<hbm>> -> memref<10240x16xf32, #tpu.memory_space<hbm>>
      tpu.wait_indirect_dma semaphore(%arg14 : memref<!tpu.dma_semaphore, #tpu.memory_space<semaphore_mem>>) src(%dma_wait3A_34 : memref<10240x16xf32, #tpu.memory_space<hbm>>) dst(%arg10 : memref<128x16xf32, #tpu.memory_space<vmem>>)
      %dma_start3A_35 = arith.constant 0 : i32
      %dma_start3A_36 = tpu.memref_slice %arg6[%multiple_of3A_12, %dma_start3A_35] : memref<163840x16xf32, #tpu.memory_space<hbm>> -> memref<128x16xf32, #tpu.memory_space<hbm>>
      %dma_start3A_37 = arith.constant 0 : i32
      %dma_start3A_38 = tpu.memref_slice %arg6[%multiple_of3A_12, %dma_start3A_37] : memref<163840x16xf32, #tpu.memory_space<hbm>> -> memref<128x16xf32, #tpu.memory_space<hbm>>
      tpu.enqueue_dma source(%arg10 : memref<128x16xf32, #tpu.memory_space<vmem>>) target(%dma_start3A_38 : memref<128x16xf32, #tpu.memory_space<hbm>>) target_semaphore(%arg16 : memref<!tpu.dma_semaphore, #tpu.memory_space<semaphore_mem>>)
      %dma_wait3A_39 = arith.constant 0 : i32
      %dma_wait3A_40 = tpu.memref_slice %arg5[%multiple_of3A_12, %dma_wait3A_39] : memref<163840x16xf32, #tpu.memory_space<hbm>> -> memref<128x16xf32, #tpu.memory_space<hbm>>
      %dma_wait3A_41 = arith.constant 0 : i32
      %dma_wait3A_42 = tpu.memref_slice %arg5[%multiple_of3A_12, %dma_wait3A_41] : memref<163840x16xf32, #tpu.memory_space<hbm>> -> memref<128x16xf32, #tpu.memory_space<hbm>>
      tpu.wait_dma2 semaphore(%arg15 : memref<!tpu.dma_semaphore, #tpu.memory_space<semaphore_mem>>) src(%arg9 : memref<128x16xf32, #tpu.memory_space<vmem>>) dst(%dma_wait3A_42 : memref<128x16xf32, #tpu.memory_space<hbm>>)
      %dma_wait3A_43 = arith.constant 0 : i32
      %dma_wait3A_44 = tpu.memref_slice %arg6[%multiple_of3A_12, %dma_wait3A_43] : memref<163840x16xf32, #tpu.memory_space<hbm>> -> memref<128x16xf32, #tpu.memory_space<hbm>>
      %dma_wait3A_45 = arith.constant 0 : i32
      %dma_wait3A_46 = tpu.memref_slice %arg6[%multiple_of3A_12, %dma_wait3A_45] : memref<163840x16xf32, #tpu.memory_space<hbm>> -> memref<128x16xf32, #tpu.memory_space<hbm>>
      tpu.wait_dma2 semaphore(%arg16 : memref<!tpu.dma_semaphore, #tpu.memory_space<semaphore_mem>>) src(%arg10 : memref<128x16xf32, #tpu.memory_space<vmem>>) dst(%dma_wait3A_46 : memref<128x16xf32, #tpu.memory_space<hbm>>)
    }
    %scan3A_7 = arith.constant 40 : i32
    return
  }
}

#map = affine_map<(d0, d1) -> (0, 0)>
#map1 = affine_map<(d0, d1) -> (0)>
module attributes {stable_mosaic.version = 14 : i64} {
  func.func @sc_scatter_add(%arg0: i32, %arg1: i32, %arg2: memref<163840x256xf32, #tpu.memory_space<hbm>>, %arg3: memref<163840xi32, #tpu.memory_space<hbm>>, %arg4: memref<640x128xf32, #tpu.memory_space<hbm>>, %arg5: memref<10240x256xf32, #tpu.memory_space<hbm>>, %arg6: memref<128xi32, #tpu.memory_space<vmem>>, %arg7: memref<128xi32, #tpu.memory_space<vmem>>, %arg8: memref<128x128xf32, #tpu.memory_space<vmem>>, %arg9: memref<128x128xf32, #tpu.memory_space<vmem>>, %arg10: memref<10240x128xf32, #tpu.memory_space<vmem_shared>>, %arg11: memref<!tpu.dma_semaphore, #tpu.memory_space<semaphore_mem>>, %arg12: memref<!tpu.dma_semaphore, #tpu.memory_space<semaphore_mem>>, %arg13: memref<!tpu.dma_semaphore, #tpu.memory_space<semaphore_mem>>, %arg14: memref<!tpu.dma_semaphore, #tpu.memory_space<semaphore_mem>>, %arg15: memref<!tpu.dma_semaphore, #tpu.memory_space<semaphore_mem>>, %arg16: memref<!tpu.dma_semaphore, #tpu.memory_space<semaphore_mem>>) attributes {dimension_semantics = [#tpu.dimension_semantics<core_parallel>, #tpu.dimension_semantics<subcore_parallel>], iteration_bounds = array<i64: 2, 16>, scalar_prefetch = 0 : i64, scratch_operands = 11 : i64, tpu.core_type = #tpu.core_type<sc_vector_subcore>, window_params = [{transform_indices = #map}, {transform_indices = #map1}, {transform_indices = #map}, {transform_indices = #map}]} {
    %mul3A = arith.constant 640 : i32
    %mul3A_0 = arith.muli %arg1, %mul3A : i32
    %multiple_of3A = tpu.assume_multiple %mul3A_0, 8 : i32
    "tpu.region"() ({
      %run_scoped3A = tpu.sem_alloc : memref<!tpu.dma_semaphore, #tpu.memory_space<semaphore_mem>>
      %dma_start3A = arith.constant 0 : i32
      %dma_start3A_13 = tpu.memref_slice %arg10[%multiple_of3A, %dma_start3A] : memref<10240x128xf32, #tpu.memory_space<vmem_shared>> -> memref<640x128xf32, #tpu.memory_space<vmem_shared>>
      tpu.enqueue_dma source(%arg4 : memref<640x128xf32, #tpu.memory_space<hbm>>) target(%dma_start3A_13 : memref<640x128xf32, #tpu.memory_space<vmem_shared>>) target_semaphore(%run_scoped3A : memref<!tpu.dma_semaphore, #tpu.memory_space<semaphore_mem>>)
      %dma_wait3A = arith.constant 0 : i32
      %dma_wait3A_14 = tpu.memref_slice %arg10[%multiple_of3A, %dma_wait3A] : memref<10240x128xf32, #tpu.memory_space<vmem_shared>> -> memref<640x128xf32, #tpu.memory_space<vmem_shared>>
      tpu.wait_dma2 semaphore(%run_scoped3A : memref<!tpu.dma_semaphore, #tpu.memory_space<semaphore_mem>>) src(%arg4 : memref<640x128xf32, #tpu.memory_space<hbm>>) dst(%dma_wait3A_14 : memref<640x128xf32, #tpu.memory_space<vmem_shared>>)
      tpu.yield
    }) : () -> ()
    %barrier3A = arith.constant 0 : index
    tpu.barrier barrier_id(%barrier3A)
    %mul3A_1 = arith.constant 128 : i32
    %mul3A_2 = arith.muli %arg0, %mul3A_1 : i32
    %multiple_of3A_3 = tpu.assume_multiple %mul3A_2, 128 : i32
    %mul3A_4 = arith.constant 10240 : i32
    %mul3A_5 = arith.muli %arg1, %mul3A_4 : i32
    %multiple_of3A_6 = tpu.assume_multiple %mul3A_5, 128 : i32
    %scan3A = arith.constant 0 : i32
    %scan3A_7 = arith.constant 0 : i32
    %scan3A_8 = arith.constant 40 : i32
    %scan3A_9 = arith.addi %scan3A_7, %scan3A_8 : i32
    %scan3A_10 = arith.constant 1 : i32
    scf.for %scan3A_13 = %scan3A_7 to %scan3A_9 step %scan3A_10  : i32 {
      %mul3A_14 = arith.constant 2 : i32
      %mul3A_15 = arith.muli %mul3A_14, %scan3A_13 : i32
      %mul3A_16 = arith.constant 128 : i32
      %mul3A_17 = arith.muli %mul3A_15, %mul3A_16 : i32
      %add3A = arith.addi %multiple_of3A_6, %mul3A_17 : i32
      %multiple_of3A_18 = tpu.assume_multiple %add3A, 128 : i32
      %mul3A_19 = arith.constant 2 : i32
      %mul3A_20 = arith.muli %mul3A_19, %scan3A_13 : i32
      %add3A_21 = arith.constant 1 : i32
      %add3A_22 = arith.addi %mul3A_20, %add3A_21 : i32
      %mul3A_23 = arith.constant 128 : i32
      %mul3A_24 = arith.muli %add3A_22, %mul3A_23 : i32
      %add3A_25 = arith.addi %multiple_of3A_6, %mul3A_24 : i32
      %multiple_of3A_26 = tpu.assume_multiple %add3A_25, 128 : i32
      %dma_start3A = tpu.memref_slice %arg3[%multiple_of3A_18] : memref<163840xi32, #tpu.memory_space<hbm>> -> memref<128xi32, #tpu.memory_space<hbm>>
      %dma_start3A_27 = tpu.memref_slice %arg3[%multiple_of3A_18] : memref<163840xi32, #tpu.memory_space<hbm>> -> memref<128xi32, #tpu.memory_space<hbm>>
      tpu.enqueue_dma source(%dma_start3A_27 : memref<128xi32, #tpu.memory_space<hbm>>) target(%arg6 : memref<128xi32, #tpu.memory_space<vmem>>) target_semaphore(%arg11 : memref<!tpu.dma_semaphore, #tpu.memory_space<semaphore_mem>>)
      %dma_start3A_28 = tpu.memref_slice %arg3[%multiple_of3A_26] : memref<163840xi32, #tpu.memory_space<hbm>> -> memref<128xi32, #tpu.memory_space<hbm>>
      %dma_start3A_29 = tpu.memref_slice %arg3[%multiple_of3A_26] : memref<163840xi32, #tpu.memory_space<hbm>> -> memref<128xi32, #tpu.memory_space<hbm>>
      tpu.enqueue_dma source(%dma_start3A_29 : memref<128xi32, #tpu.memory_space<hbm>>) target(%arg7 : memref<128xi32, #tpu.memory_space<vmem>>) target_semaphore(%arg12 : memref<!tpu.dma_semaphore, #tpu.memory_space<semaphore_mem>>)
      %dma_start3A_30 = tpu.memref_slice %arg2[%multiple_of3A_18, %multiple_of3A_3] : memref<163840x256xf32, #tpu.memory_space<hbm>> -> memref<128x128xf32, #tpu.memory_space<hbm>>
      %dma_start3A_31 = tpu.memref_slice %arg2[%multiple_of3A_18, %multiple_of3A_3] : memref<163840x256xf32, #tpu.memory_space<hbm>> -> memref<128x128xf32, #tpu.memory_space<hbm>>
      tpu.enqueue_dma source(%dma_start3A_31 : memref<128x128xf32, #tpu.memory_space<hbm>>) target(%arg8 : memref<128x128xf32, #tpu.memory_space<vmem>>) target_semaphore(%arg13 : memref<!tpu.dma_semaphore, #tpu.memory_space<semaphore_mem>>)
      %dma_start3A_32 = tpu.memref_slice %arg2[%multiple_of3A_26, %multiple_of3A_3] : memref<163840x256xf32, #tpu.memory_space<hbm>> -> memref<128x128xf32, #tpu.memory_space<hbm>>
      %dma_start3A_33 = tpu.memref_slice %arg2[%multiple_of3A_26, %multiple_of3A_3] : memref<163840x256xf32, #tpu.memory_space<hbm>> -> memref<128x128xf32, #tpu.memory_space<hbm>>
      tpu.enqueue_dma source(%dma_start3A_33 : memref<128x128xf32, #tpu.memory_space<hbm>>) target(%arg9 : memref<128x128xf32, #tpu.memory_space<vmem>>) target_semaphore(%arg14 : memref<!tpu.dma_semaphore, #tpu.memory_space<semaphore_mem>>)
      %dma_wait3A = tpu.memref_slice %arg3[%multiple_of3A_18] : memref<163840xi32, #tpu.memory_space<hbm>> -> memref<128xi32, #tpu.memory_space<hbm>>
      %dma_wait3A_34 = tpu.memref_slice %arg3[%multiple_of3A_18] : memref<163840xi32, #tpu.memory_space<hbm>> -> memref<128xi32, #tpu.memory_space<hbm>>
      tpu.wait_dma2 semaphore(%arg11 : memref<!tpu.dma_semaphore, #tpu.memory_space<semaphore_mem>>) src(%dma_wait3A_34 : memref<128xi32, #tpu.memory_space<hbm>>) dst(%arg6 : memref<128xi32, #tpu.memory_space<vmem>>)
      %dma_wait3A_35 = tpu.memref_slice %arg2[%multiple_of3A_18, %multiple_of3A_3] : memref<163840x256xf32, #tpu.memory_space<hbm>> -> memref<128x128xf32, #tpu.memory_space<hbm>>
      %dma_wait3A_36 = tpu.memref_slice %arg2[%multiple_of3A_18, %multiple_of3A_3] : memref<163840x256xf32, #tpu.memory_space<hbm>> -> memref<128x128xf32, #tpu.memory_space<hbm>>
      tpu.wait_dma2 semaphore(%arg13 : memref<!tpu.dma_semaphore, #tpu.memory_space<semaphore_mem>>) src(%dma_wait3A_36 : memref<128x128xf32, #tpu.memory_space<hbm>>) dst(%arg8 : memref<128x128xf32, #tpu.memory_space<vmem>>)
      %dma_start3A_37 = arith.constant 0 : i32
      %dma_start3A_38 = arith.constant 0 : i32
      %dma_start3A_39 = tpu.memref_slice %arg10[%dma_start3A_37, %dma_start3A_38] : memref<10240x128xf32, #tpu.memory_space<vmem_shared>> -> memref<10240x128xf32, #tpu.memory_space<vmem_shared>>
      tpu.enqueue_indirect_dma source(%arg8 : memref<128x128xf32, #tpu.memory_space<vmem>>) target(%dma_start3A_39 : memref<10240x128xf32, #tpu.memory_space<vmem_shared>>) offsets(%arg6 : memref<128xi32, #tpu.memory_space<vmem>>) semaphore(%arg15 : memref<!tpu.dma_semaphore, #tpu.memory_space<semaphore_mem>>) {add = true}
      %dma_wait3A_40 = tpu.memref_slice %arg3[%multiple_of3A_26] : memref<163840xi32, #tpu.memory_space<hbm>> -> memref<128xi32, #tpu.memory_space<hbm>>
      %dma_wait3A_41 = tpu.memref_slice %arg3[%multiple_of3A_26] : memref<163840xi32, #tpu.memory_space<hbm>> -> memref<128xi32, #tpu.memory_space<hbm>>
      tpu.wait_dma2 semaphore(%arg12 : memref<!tpu.dma_semaphore, #tpu.memory_space<semaphore_mem>>) src(%dma_wait3A_41 : memref<128xi32, #tpu.memory_space<hbm>>) dst(%arg7 : memref<128xi32, #tpu.memory_space<vmem>>)
      %dma_wait3A_42 = tpu.memref_slice %arg2[%multiple_of3A_26, %multiple_of3A_3] : memref<163840x256xf32, #tpu.memory_space<hbm>> -> memref<128x128xf32, #tpu.memory_space<hbm>>
      %dma_wait3A_43 = tpu.memref_slice %arg2[%multiple_of3A_26, %multiple_of3A_3] : memref<163840x256xf32, #tpu.memory_space<hbm>> -> memref<128x128xf32, #tpu.memory_space<hbm>>
      tpu.wait_dma2 semaphore(%arg14 : memref<!tpu.dma_semaphore, #tpu.memory_space<semaphore_mem>>) src(%dma_wait3A_43 : memref<128x128xf32, #tpu.memory_space<hbm>>) dst(%arg9 : memref<128x128xf32, #tpu.memory_space<vmem>>)
      %dma_start3A_44 = arith.constant 0 : i32
      %dma_start3A_45 = arith.constant 0 : i32
      %dma_start3A_46 = tpu.memref_slice %arg10[%dma_start3A_44, %dma_start3A_45] : memref<10240x128xf32, #tpu.memory_space<vmem_shared>> -> memref<10240x128xf32, #tpu.memory_space<vmem_shared>>
      tpu.enqueue_indirect_dma source(%arg9 : memref<128x128xf32, #tpu.memory_space<vmem>>) target(%dma_start3A_46 : memref<10240x128xf32, #tpu.memory_space<vmem_shared>>) offsets(%arg7 : memref<128xi32, #tpu.memory_space<vmem>>) semaphore(%arg16 : memref<!tpu.dma_semaphore, #tpu.memory_space<semaphore_mem>>) {add = true}
      %dma_wait3A_47 = arith.constant 0 : i32
      %dma_wait3A_48 = arith.constant 0 : i32
      %dma_wait3A_49 = tpu.memref_slice %arg10[%dma_wait3A_47, %dma_wait3A_48] : memref<10240x128xf32, #tpu.memory_space<vmem_shared>> -> memref<10240x128xf32, #tpu.memory_space<vmem_shared>>
      tpu.wait_indirect_dma semaphore(%arg15 : memref<!tpu.dma_semaphore, #tpu.memory_space<semaphore_mem>>) src(%arg8 : memref<128x128xf32, #tpu.memory_space<vmem>>) dst(%dma_wait3A_49 : memref<10240x128xf32, #tpu.memory_space<vmem_shared>>)
      %dma_wait3A_50 = arith.constant 0 : i32
      %dma_wait3A_51 = arith.constant 0 : i32
      %dma_wait3A_52 = tpu.memref_slice %arg10[%dma_wait3A_50, %dma_wait3A_51] : memref<10240x128xf32, #tpu.memory_space<vmem_shared>> -> memref<10240x128xf32, #tpu.memory_space<vmem_shared>>
      tpu.wait_indirect_dma semaphore(%arg16 : memref<!tpu.dma_semaphore, #tpu.memory_space<semaphore_mem>>) src(%arg9 : memref<128x128xf32, #tpu.memory_space<vmem>>) dst(%dma_wait3A_52 : memref<10240x128xf32, #tpu.memory_space<vmem_shared>>)
    }
    %scan3A_11 = arith.constant 40 : i32
    %barrier3A_12 = arith.constant 0 : index
    tpu.barrier barrier_id(%barrier3A_12)
    "tpu.region"() ({
      %run_scoped3A = tpu.sem_alloc : memref<!tpu.dma_semaphore, #tpu.memory_space<semaphore_mem>>
      %dma_start3A = tpu.memref_slice %arg5[%multiple_of3A, %multiple_of3A_3] : memref<10240x256xf32, #tpu.memory_space<hbm>> -> memref<640x128xf32, #tpu.memory_space<hbm>>
      %dma_start3A_13 = arith.constant 0 : i32
      %dma_start3A_14 = tpu.memref_slice %arg10[%multiple_of3A, %dma_start3A_13] : memref<10240x128xf32, #tpu.memory_space<vmem_shared>> -> memref<640x128xf32, #tpu.memory_space<vmem_shared>>
      tpu.enqueue_dma source(%dma_start3A_14 : memref<640x128xf32, #tpu.memory_space<vmem_shared>>) target(%dma_start3A : memref<640x128xf32, #tpu.memory_space<hbm>>) target_semaphore(%run_scoped3A : memref<!tpu.dma_semaphore, #tpu.memory_space<semaphore_mem>>)
      %dma_wait3A = tpu.memref_slice %arg5[%multiple_of3A, %multiple_of3A_3] : memref<10240x256xf32, #tpu.memory_space<hbm>> -> memref<640x128xf32, #tpu.memory_space<hbm>>
      %dma_wait3A_15 = arith.constant 0 : i32
      %dma_wait3A_16 = tpu.memref_slice %arg10[%multiple_of3A, %dma_wait3A_15] : memref<10240x128xf32, #tpu.memory_space<vmem_shared>> -> memref<640x128xf32, #tpu.memory_space<vmem_shared>>
      tpu.wait_dma2 semaphore(%run_scoped3A : memref<!tpu.dma_semaphore, #tpu.memory_space<semaphore_mem>>) src(%dma_wait3A_16 : memref<640x128xf32, #tpu.memory_space<vmem_shared>>) dst(%dma_wait3A : memref<640x128xf32, #tpu.memory_space<hbm>>)
      tpu.yield
    }) : () -> ()
    return
  }
}

#map = affine_map<(d0, d1) -> (0, 0)>
#map1 = affine_map<(d0, d1) -> (0)>
module attributes {stable_mosaic.version = 14 : i64} {
  func.func @sc_gather_d256(%arg0: i32, %arg1: i32, %arg2: memref<10240x256xf32, #tpu.memory_space<hbm>>, %arg3: memref<163840xi32, #tpu.memory_space<hbm>>, %arg4: memref<163840x256xf32, #tpu.memory_space<hbm>>, %arg5: memref<128xi32, #tpu.memory_space<vmem>>, %arg6: memref<128xi32, #tpu.memory_space<vmem>>, %arg7: memref<128x256xf32, #tpu.memory_space<vmem>>, %arg8: memref<128x256xf32, #tpu.memory_space<vmem>>, %arg9: memref<!tpu.dma_semaphore, #tpu.memory_space<semaphore_mem>>, %arg10: memref<!tpu.dma_semaphore, #tpu.memory_space<semaphore_mem>>, %arg11: memref<!tpu.dma_semaphore, #tpu.memory_space<semaphore_mem>>, %arg12: memref<!tpu.dma_semaphore, #tpu.memory_space<semaphore_mem>>, %arg13: memref<!tpu.dma_semaphore, #tpu.memory_space<semaphore_mem>>, %arg14: memref<!tpu.dma_semaphore, #tpu.memory_space<semaphore_mem>>) attributes {dimension_semantics = [#tpu.dimension_semantics<core_parallel>, #tpu.dimension_semantics<subcore_parallel>], iteration_bounds = array<i64: 2, 16>, scalar_prefetch = 0 : i64, scratch_operands = 10 : i64, tpu.core_type = #tpu.core_type<sc_vector_subcore>, window_params = [{transform_indices = #map}, {transform_indices = #map1}, {transform_indices = #map}]} {
    %mul3A = arith.constant 2 : i32
    %mul3A_0 = arith.muli %arg1, %mul3A : i32
    %add3A = arith.addi %mul3A_0, %arg0 : i32
    %mul3A_1 = arith.constant 5120 : i32
    %mul3A_2 = arith.muli %add3A, %mul3A_1 : i32
    %multiple_of3A = tpu.assume_multiple %mul3A_2, 128 : i32
    %scan3A = arith.constant 0 : i32
    %scan3A_3 = arith.constant 0 : i32
    %scan3A_4 = arith.constant 20 : i32
    %scan3A_5 = arith.addi %scan3A_3, %scan3A_4 : i32
    %scan3A_6 = arith.constant 1 : i32
    scf.for %scan3A_8 = %scan3A_3 to %scan3A_5 step %scan3A_6  : i32 {
      %mul3A_9 = arith.constant 2 : i32
      %mul3A_10 = arith.muli %mul3A_9, %scan3A_8 : i32
      %mul3A_11 = arith.constant 128 : i32
      %mul3A_12 = arith.muli %mul3A_10, %mul3A_11 : i32
      %add3A_13 = arith.addi %multiple_of3A, %mul3A_12 : i32
      %multiple_of3A_14 = tpu.assume_multiple %add3A_13, 128 : i32
      %mul3A_15 = arith.constant 2 : i32
      %mul3A_16 = arith.muli %mul3A_15, %scan3A_8 : i32
      %add3A_17 = arith.constant 1 : i32
      %add3A_18 = arith.addi %mul3A_16, %add3A_17 : i32
      %mul3A_19 = arith.constant 128 : i32
      %mul3A_20 = arith.muli %add3A_18, %mul3A_19 : i32
      %add3A_21 = arith.addi %multiple_of3A, %mul3A_20 : i32
      %multiple_of3A_22 = tpu.assume_multiple %add3A_21, 128 : i32
      %dma_start3A = tpu.memref_slice %arg3[%multiple_of3A_14] : memref<163840xi32, #tpu.memory_space<hbm>> -> memref<128xi32, #tpu.memory_space<hbm>>
      %dma_start3A_23 = tpu.memref_slice %arg3[%multiple_of3A_14] : memref<163840xi32, #tpu.memory_space<hbm>> -> memref<128xi32, #tpu.memory_space<hbm>>
      tpu.enqueue_dma source(%dma_start3A_23 : memref<128xi32, #tpu.memory_space<hbm>>) target(%arg5 : memref<128xi32, #tpu.memory_space<vmem>>) target_semaphore(%arg9 : memref<!tpu.dma_semaphore, #tpu.memory_space<semaphore_mem>>)
      %dma_start3A_24 = tpu.memref_slice %arg3[%multiple_of3A_22] : memref<163840xi32, #tpu.memory_space<hbm>> -> memref<128xi32, #tpu.memory_space<hbm>>
      %dma_start3A_25 = tpu.memref_slice %arg3[%multiple_of3A_22] : memref<163840xi32, #tpu.memory_space<hbm>> -> memref<128xi32, #tpu.memory_space<hbm>>
      tpu.enqueue_dma source(%dma_start3A_25 : memref<128xi32, #tpu.memory_space<hbm>>) target(%arg6 : memref<128xi32, #tpu.memory_space<vmem>>) target_semaphore(%arg10 : memref<!tpu.dma_semaphore, #tpu.memory_space<semaphore_mem>>)
      %dma_wait3A = tpu.memref_slice %arg3[%multiple_of3A_14] : memref<163840xi32, #tpu.memory_space<hbm>> -> memref<128xi32, #tpu.memory_space<hbm>>
      %dma_wait3A_26 = tpu.memref_slice %arg3[%multiple_of3A_14] : memref<163840xi32, #tpu.memory_space<hbm>> -> memref<128xi32, #tpu.memory_space<hbm>>
      tpu.wait_dma2 semaphore(%arg9 : memref<!tpu.dma_semaphore, #tpu.memory_space<semaphore_mem>>) src(%dma_wait3A_26 : memref<128xi32, #tpu.memory_space<hbm>>) dst(%arg5 : memref<128xi32, #tpu.memory_space<vmem>>)
      %dma_start3A_27 = arith.constant 0 : i32
      %dma_start3A_28 = arith.constant 0 : i32
      %dma_start3A_29 = tpu.memref_slice %arg2[%dma_start3A_27, %dma_start3A_28] : memref<10240x256xf32, #tpu.memory_space<hbm>> -> memref<10240x256xf32, #tpu.memory_space<hbm>>
      tpu.enqueue_indirect_dma source(%dma_start3A_29 : memref<10240x256xf32, #tpu.memory_space<hbm>>) target(%arg7 : memref<128x256xf32, #tpu.memory_space<vmem>>) offsets(%arg5 : memref<128xi32, #tpu.memory_space<vmem>>) semaphore(%arg11 : memref<!tpu.dma_semaphore, #tpu.memory_space<semaphore_mem>>)
      %dma_wait3A_30 = tpu.memref_slice %arg3[%multiple_of3A_22] : memref<163840xi32, #tpu.memory_space<hbm>> -> memref<128xi32, #tpu.memory_space<hbm>>
      %dma_wait3A_31 = tpu.memref_slice %arg3[%multiple_of3A_22] : memref<163840xi32, #tpu.memory_space<hbm>> -> memref<128xi32, #tpu.memory_space<hbm>>
      tpu.wait_dma2 semaphore(%arg10 : memref<!tpu.dma_semaphore, #tpu.memory_space<semaphore_mem>>) src(%dma_wait3A_31 : memref<128xi32, #tpu.memory_space<hbm>>) dst(%arg6 : memref<128xi32, #tpu.memory_space<vmem>>)
      %dma_start3A_32 = arith.constant 0 : i32
      %dma_start3A_33 = arith.constant 0 : i32
      %dma_start3A_34 = tpu.memref_slice %arg2[%dma_start3A_32, %dma_start3A_33] : memref<10240x256xf32, #tpu.memory_space<hbm>> -> memref<10240x256xf32, #tpu.memory_space<hbm>>
      tpu.enqueue_indirect_dma source(%dma_start3A_34 : memref<10240x256xf32, #tpu.memory_space<hbm>>) target(%arg8 : memref<128x256xf32, #tpu.memory_space<vmem>>) offsets(%arg6 : memref<128xi32, #tpu.memory_space<vmem>>) semaphore(%arg12 : memref<!tpu.dma_semaphore, #tpu.memory_space<semaphore_mem>>)
      %dma_wait3A_35 = arith.constant 0 : i32
      %dma_wait3A_36 = arith.constant 0 : i32
      %dma_wait3A_37 = tpu.memref_slice %arg2[%dma_wait3A_35, %dma_wait3A_36] : memref<10240x256xf32, #tpu.memory_space<hbm>> -> memref<10240x256xf32, #tpu.memory_space<hbm>>
      tpu.wait_indirect_dma semaphore(%arg11 : memref<!tpu.dma_semaphore, #tpu.memory_space<semaphore_mem>>) src(%dma_wait3A_37 : memref<10240x256xf32, #tpu.memory_space<hbm>>) dst(%arg7 : memref<128x256xf32, #tpu.memory_space<vmem>>)
      %dma_start3A_38 = arith.constant 0 : i32
      %dma_start3A_39 = tpu.memref_slice %arg4[%multiple_of3A_14, %dma_start3A_38] : memref<163840x256xf32, #tpu.memory_space<hbm>> -> memref<128x256xf32, #tpu.memory_space<hbm>>
      %dma_start3A_40 = arith.constant 0 : i32
      %dma_start3A_41 = tpu.memref_slice %arg4[%multiple_of3A_14, %dma_start3A_40] : memref<163840x256xf32, #tpu.memory_space<hbm>> -> memref<128x256xf32, #tpu.memory_space<hbm>>
      tpu.enqueue_dma source(%arg7 : memref<128x256xf32, #tpu.memory_space<vmem>>) target(%dma_start3A_41 : memref<128x256xf32, #tpu.memory_space<hbm>>) target_semaphore(%arg13 : memref<!tpu.dma_semaphore, #tpu.memory_space<semaphore_mem>>)
      %dma_wait3A_42 = arith.constant 0 : i32
      %dma_wait3A_43 = arith.constant 0 : i32
      %dma_wait3A_44 = tpu.memref_slice %arg2[%dma_wait3A_42, %dma_wait3A_43] : memref<10240x256xf32, #tpu.memory_space<hbm>> -> memref<10240x256xf32, #tpu.memory_space<hbm>>
      tpu.wait_indirect_dma semaphore(%arg12 : memref<!tpu.dma_semaphore, #tpu.memory_space<semaphore_mem>>) src(%dma_wait3A_44 : memref<10240x256xf32, #tpu.memory_space<hbm>>) dst(%arg8 : memref<128x256xf32, #tpu.memory_space<vmem>>)
      %dma_start3A_45 = arith.constant 0 : i32
      %dma_start3A_46 = tpu.memref_slice %arg4[%multiple_of3A_22, %dma_start3A_45] : memref<163840x256xf32, #tpu.memory_space<hbm>> -> memref<128x256xf32, #tpu.memory_space<hbm>>
      %dma_start3A_47 = arith.constant 0 : i32
      %dma_start3A_48 = tpu.memref_slice %arg4[%multiple_of3A_22, %dma_start3A_47] : memref<163840x256xf32, #tpu.memory_space<hbm>> -> memref<128x256xf32, #tpu.memory_space<hbm>>
      tpu.enqueue_dma source(%arg8 : memref<128x256xf32, #tpu.memory_space<vmem>>) target(%dma_start3A_48 : memref<128x256xf32, #tpu.memory_space<hbm>>) target_semaphore(%arg14 : memref<!tpu.dma_semaphore, #tpu.memory_space<semaphore_mem>>)
      %dma_wait3A_49 = arith.constant 0 : i32
      %dma_wait3A_50 = tpu.memref_slice %arg4[%multiple_of3A_14, %dma_wait3A_49] : memref<163840x256xf32, #tpu.memory_space<hbm>> -> memref<128x256xf32, #tpu.memory_space<hbm>>
      %dma_wait3A_51 = arith.constant 0 : i32
      %dma_wait3A_52 = tpu.memref_slice %arg4[%multiple_of3A_14, %dma_wait3A_51] : memref<163840x256xf32, #tpu.memory_space<hbm>> -> memref<128x256xf32, #tpu.memory_space<hbm>>
      tpu.wait_dma2 semaphore(%arg13 : memref<!tpu.dma_semaphore, #tpu.memory_space<semaphore_mem>>) src(%arg7 : memref<128x256xf32, #tpu.memory_space<vmem>>) dst(%dma_wait3A_52 : memref<128x256xf32, #tpu.memory_space<hbm>>)
      %dma_wait3A_53 = arith.constant 0 : i32
      %dma_wait3A_54 = tpu.memref_slice %arg4[%multiple_of3A_22, %dma_wait3A_53] : memref<163840x256xf32, #tpu.memory_space<hbm>> -> memref<128x256xf32, #tpu.memory_space<hbm>>
      %dma_wait3A_55 = arith.constant 0 : i32
      %dma_wait3A_56 = tpu.memref_slice %arg4[%multiple_of3A_22, %dma_wait3A_55] : memref<163840x256xf32, #tpu.memory_space<hbm>> -> memref<128x256xf32, #tpu.memory_space<hbm>>
      tpu.wait_dma2 semaphore(%arg14 : memref<!tpu.dma_semaphore, #tpu.memory_space<semaphore_mem>>) src(%arg8 : memref<128x256xf32, #tpu.memory_space<vmem>>) dst(%dma_wait3A_56 : memref<128x256xf32, #tpu.memory_space<hbm>>)
    }
    %scan3A_7 = arith.constant 20 : i32
    return
  }
}

module attributes {stable_mosaic.version = 14 : i64} {
  func.func @node_embed(%arg0: i32, %arg1: memref<1x512x1xf32, #tpu.memory_space<vmem>>, %arg2: memref<512x3xf32, #tpu.memory_space<vmem>>, %arg3: memref<16x16xf32, #tpu.memory_space<vmem>>, %arg4: memref<16x64xf32, #tpu.memory_space<vmem>>, %arg5: memref<1x64xf32, #tpu.memory_space<vmem>>, %arg6: memref<64x8xf32, #tpu.memory_space<vmem>>, %arg7: memref<1x8xf32, #tpu.memory_space<vmem>>, %arg8: memref<512x16xf32, #tpu.memory_space<vmem>>) attributes {dimension_semantics = [#tpu.dimension_semantics<arbitrary>], iteration_bounds = array<i64: 20>, scalar_prefetch = 0 : i64, scratch_operands = 0 : i64, tpu.core_type = #tpu.core_type<tc>, window_params = [{transform_indices = @transform_0, window_bounds = array<i64: 1, 512, 1>}, {transform_indices = @transform_1, window_bounds = array<i64: 512, 3>}, {pipeline_mode = #tpu.pipeline_mode<synchronous>, transform_indices = @transform_2, window_bounds = array<i64: 16, 16>}, {pipeline_mode = #tpu.pipeline_mode<synchronous>, transform_indices = @transform_3, window_bounds = array<i64: 16, 64>}, {pipeline_mode = #tpu.pipeline_mode<synchronous>, transform_indices = @transform_4, window_bounds = array<i64: 1, 64>}, {pipeline_mode = #tpu.pipeline_mode<synchronous>, transform_indices = @transform_5, window_bounds = array<i64: 64, 8>}, {pipeline_mode = #tpu.pipeline_mode<synchronous>, transform_indices = @transform_6, window_bounds = array<i64: 1, 8>}, {transform_indices = @transform_7, window_bounds = array<i64: 512, 16>}]} {
    %get3A = arith.constant 0 : index
    %get3A_0 = arith.constant 0 : index
    %get3A_1 = arith.constant 0 : index
    %get3A_2 = vector.load %arg1[%get3A, %get3A_0, %get3A_1] : memref<1x512x1xf32, #tpu.memory_space<vmem>>, vector<1x512x1xf32>
    %get3A_3 = vector.shape_cast %get3A_2 : vector<1x512x1xf32> to vector<512x1xf32>
    %iota3A = tpu.iota {dimensions = array<i32: 1>} : vector<512x16xi32>
    %convert_element_type3A = arith.sitofp %iota3A : vector<512x16xi32> to vector<512x16xf32>
    %eq3A = vector.broadcast %get3A_3 : vector<512x1xf32> to vector<512x16xf32>
    %eq3A_4 = arith.cmpf oeq, %eq3A, %convert_element_type3A : vector<512x16xf32>
    %convert_element_type3A_5 = arith.extui %eq3A_4 : vector<512x16xi1> to vector<512x16xi32>
    %convert_element_type3A_6 = arith.sitofp %convert_element_type3A_5 : vector<512x16xi32> to vector<512x16xf32>
    %get3A_7 = arith.constant 0 : index
    %get3A_8 = arith.constant 0 : index
    %get3A_9 = vector.load %arg3[%get3A_7, %get3A_8] : memref<16x16xf32, #tpu.memory_space<vmem>>, vector<16x16xf32>
    %dot_general3A = arith.constant dense<0.000000e+00> : vector<512x16xf32>
    %dot_general3A_10 = tpu.matmul %convert_element_type3A_6, %get3A_9, %dot_general3A {dimension_numbers = #tpu.dot_dimension_numbers<[1], [0], [0], [1], [0, 0, 1, 1], [], []>, precision = #tpu.contract_precision<fp32>, transpose_lhs_hint = false} : vector<512x16xf32>, vector<16x16xf32>, vector<512x16xf32> -> vector<512x16xf32>
    %get3A_11 = arith.constant 0 : index
    %get3A_12 = arith.constant 0 : index
    %get3A_13 = vector.load %arg4[%get3A_11, %get3A_12] : memref<16x64xf32, #tpu.memory_space<vmem>>, vector<16x64xf32>
    %dot_general3A_14 = arith.constant dense<0.000000e+00> : vector<512x64xf32>
    %dot_general3A_15 = tpu.matmul %dot_general3A_10, %get3A_13, %dot_general3A_14 {dimension_numbers = #tpu.dot_dimension_numbers<[1], [0], [0], [1], [0, 0, 1, 1], [], []>, precision = #tpu.contract_precision<fp32>, transpose_lhs_hint = false} : vector<512x16xf32>, vector<16x64xf32>, vector<512x64xf32> -> vector<512x64xf32>
    %get3A_16 = arith.constant 0 : index
    %get3A_17 = arith.constant 0 : index
    %get3A_18 = vector.load %arg5[%get3A_16, %get3A_17] : memref<1x64xf32, #tpu.memory_space<vmem>>, vector<1x64xf32>
    %add3A = vector.broadcast %get3A_18 : vector<1x64xf32> to vector<512x64xf32>
    %add3A_19 = arith.addf %dot_general3A_15, %add3A : vector<512x64xf32>
    %logistic3A = arith.negf %add3A_19 : vector<512x64xf32>
    %logistic3A_20 = math.exp %logistic3A : vector<512x64xf32>
    %logistic3A_21 = arith.constant 1.000000e+00 : f32
    %logistic3A_22 = vector.broadcast %logistic3A_21 : f32 to vector<512x64xf32>
    %logistic3A_23 = arith.addf %logistic3A_22, %logistic3A_20 : vector<512x64xf32>
    %logistic3A_24 = arith.divf %logistic3A_22, %logistic3A_23 : vector<512x64xf32>
    %mul3A = arith.mulf %add3A_19, %logistic3A_24 : vector<512x64xf32>
    %get3A_25 = arith.constant 0 : index
    %get3A_26 = arith.constant 0 : index
    %get3A_27 = vector.load %arg6[%get3A_25, %get3A_26] : memref<64x8xf32, #tpu.memory_space<vmem>>, vector<64x8xf32>
    %dot_general3A_28 = arith.constant dense<0.000000e+00> : vector<512x8xf32>
    %dot_general3A_29 = tpu.matmul %mul3A, %get3A_27, %dot_general3A_28 {dimension_numbers = #tpu.dot_dimension_numbers<[1], [0], [0], [1], [0, 0, 1, 1], [], []>, precision = #tpu.contract_precision<fp32>, transpose_lhs_hint = false} : vector<512x64xf32>, vector<64x8xf32>, vector<512x8xf32> -> vector<512x8xf32>
    %get3A_30 = arith.constant 0 : index
    %get3A_31 = arith.constant 0 : index
    %get3A_32 = vector.load %arg7[%get3A_30, %get3A_31] : memref<1x8xf32, #tpu.memory_space<vmem>>, vector<1x8xf32>
    %add3A_33 = vector.broadcast %get3A_32 : vector<1x8xf32> to vector<512x8xf32>
    %add3A_34 = arith.addf %dot_general3A_29, %add3A_33 : vector<512x8xf32>
    %get3A_35 = arith.constant 0 : index
    %get3A_36 = arith.constant 0 : index
    %get3A_37 = vector.load %arg2[%get3A_35, %get3A_36] : memref<512x3xf32, #tpu.memory_space<vmem>>, vector<512x3xf32>
    %broadcast_in_dim3A = arith.constant 0.000000e+00 : f32
    %broadcast_in_dim3A_38 = vector.broadcast %broadcast_in_dim3A : f32 to vector<512x5xf32>
    %concatenate3A = tpu.concatenate %get3A_37, %add3A_34, %broadcast_in_dim3A_38 in 1 : vector<512x3xf32>, vector<512x8xf32>, vector<512x5xf32> -> vector<512x16xf32>
    %swap3A = arith.constant 0 : index
    %swap3A_39 = arith.constant 0 : index
    %swap3A_40 = vector.load %arg8[%swap3A, %swap3A_39] : memref<512x16xf32, #tpu.memory_space<vmem>>, vector<512x16xf32>
    tpu.vector_store %arg8[%swap3A, %swap3A_39], %concatenate3A {strides = array<i32>} : memref<512x16xf32, #tpu.memory_space<vmem>>, vector<512x16xf32>,
    return
  }
  func.func @transform_0(%arg0: i32) -> (i32, i32, i32) {
    %c0_i32 = arith.constant 0 : i32
    %c0_i32_0 = arith.constant 0 : i32
    %c0_i32_1 = arith.constant 0 : i32
    return %arg0, %c0_i32, %c0_i32_0 : i32, i32, i32
  }
  func.func @transform_1(%arg0: i32) -> (i32, i32) {
    %c0_i32 = arith.constant 0 : i32
    %c0_i32_0 = arith.constant 0 : i32
    return %arg0, %c0_i32 : i32, i32
  }
  func.func @transform_2(%arg0: i32) -> (i32, i32) {
    %c0_i32 = arith.constant 0 : i32
    %c0_i32_0 = arith.constant 0 : i32
    %c0_i32_1 = arith.constant 0 : i32
    return %c0_i32, %c0_i32_0 : i32, i32
  }
  func.func @transform_3(%arg0: i32) -> (i32, i32) {
    %c0_i32 = arith.constant 0 : i32
    %c0_i32_0 = arith.constant 0 : i32
    %c0_i32_1 = arith.constant 0 : i32
    return %c0_i32, %c0_i32_0 : i32, i32
  }
  func.func @transform_4(%arg0: i32) -> (i32, i32) {
    %c0_i32 = arith.constant 0 : i32
    %c0_i32_0 = arith.constant 0 : i32
    %c0_i32_1 = arith.constant 0 : i32
    return %c0_i32, %c0_i32_0 : i32, i32
  }
  func.func @transform_5(%arg0: i32) -> (i32, i32) {
    %c0_i32 = arith.constant 0 : i32
    %c0_i32_0 = arith.constant 0 : i32
    %c0_i32_1 = arith.constant 0 : i32
    return %c0_i32, %c0_i32_0 : i32, i32
  }
  func.func @transform_6(%arg0: i32) -> (i32, i32) {
    %c0_i32 = arith.constant 0 : i32
    %c0_i32_0 = arith.constant 0 : i32
    %c0_i32_1 = arith.constant 0 : i32
    return %c0_i32, %c0_i32_0 : i32, i32
  }
  func.func @transform_7(%arg0: i32) -> (i32, i32) {
    %c0_i32 = arith.constant 0 : i32
    %c0_i32_0 = arith.constant 0 : i32
    return %arg0, %c0_i32 : i32, i32
  }
}

module attributes {stable_mosaic.version = 14 : i64} {
  func.func @edge_layer1(%arg0: i32, %arg1: memref<2048x16xf32, #tpu.memory_space<vmem>>, %arg2: memref<2048x16xf32, #tpu.memory_space<vmem>>, %arg3: memref<16x128xf32, #tpu.memory_space<vmem>>, %arg4: memref<1x128xf32, #tpu.memory_space<vmem>>, %arg5: memref<128x128xf32, #tpu.memory_space<vmem>>, %arg6: memref<1x128xf32, #tpu.memory_space<vmem>>, %arg7: memref<128x32xf32, #tpu.memory_space<vmem>>, %arg8: memref<1x32xf32, #tpu.memory_space<vmem>>, %arg9: memref<8x256xf32, #tpu.memory_space<vmem>>, %arg10: memref<2048x256xf32, #tpu.memory_space<vmem>>, %arg11: memref<2048x8xf32, #tpu.memory_space<vmem>>) attributes {dimension_semantics = [#tpu.dimension_semantics<arbitrary>], iteration_bounds = array<i64: 80>, scalar_prefetch = 0 : i64, scratch_operands = 0 : i64, tpu.core_type = #tpu.core_type<tc>, window_params = [{transform_indices = @transform_0, window_bounds = array<i64: 2048, 16>}, {transform_indices = @transform_1, window_bounds = array<i64: 2048, 16>}, {pipeline_mode = #tpu.pipeline_mode<synchronous>, transform_indices = @transform_2, window_bounds = array<i64: 16, 128>}, {pipeline_mode = #tpu.pipeline_mode<synchronous>, transform_indices = @transform_3, window_bounds = array<i64: 1, 128>}, {pipeline_mode = #tpu.pipeline_mode<synchronous>, transform_indices = @transform_4, window_bounds = array<i64: 128, 128>}, {pipeline_mode = #tpu.pipeline_mode<synchronous>, transform_indices = @transform_5, window_bounds = array<i64: 1, 128>}, {pipeline_mode = #tpu.pipeline_mode<synchronous>, transform_indices = @transform_6, window_bounds = array<i64: 128, 32>}, {pipeline_mode = #tpu.pipeline_mode<synchronous>, transform_indices = @transform_7, window_bounds = array<i64: 1, 32>}, {pipeline_mode = #tpu.pipeline_mode<synchronous>, transform_indices = @transform_8, window_bounds = array<i64: 8, 256>}, {transform_indices = @transform_9, window_bounds = array<i64: 2048, 256>}, {transform_indices = @transform_10, window_bounds = array<i64: 2048, 8>}]} {
    %get3A = arith.constant 0 : index
    %get3A_0 = arith.constant 0 : index
    %get3A_1 = vector.load %arg1[%get3A, %get3A_0] : memref<2048x16xf32, #tpu.memory_space<vmem>>, vector<2048x16xf32>
    %get3A_2 = arith.constant 0 : index
    %get3A_3 = arith.constant 0 : index
    %get3A_4 = vector.load %arg2[%get3A_2, %get3A_3] : memref<2048x16xf32, #tpu.memory_space<vmem>>, vector<2048x16xf32>
    %slice3A = vector.extract_strided_slice %get3A_1 {offsets = [0, 0], sizes = [2048, 3], strides = [1, 1]} : vector<2048x16xf32> to vector<2048x3xf32>
    %slice3A_5 = vector.extract_strided_slice %get3A_1 {offsets = [0, 3], sizes = [2048, 8], strides = [1, 1]} : vector<2048x16xf32> to vector<2048x8xf32>
    %slice3A_6 = vector.extract_strided_slice %get3A_4 {offsets = [0, 0], sizes = [2048, 3], strides = [1, 1]} : vector<2048x16xf32> to vector<2048x3xf32>
    %sub3A = arith.subf %slice3A_6, %slice3A : vector<2048x3xf32>
    %mul3A = arith.mulf %sub3A, %sub3A : vector<2048x3xf32>
    %reduce_sum3A = arith.constant dense<0.000000e+00> : vector<2048xf32>
    %reduce_sum3A_7 = vector.multi_reduction <add>, %mul3A, %reduce_sum3A [1] : vector<2048x3xf32> to vector<2048xf32>
    %broadcast_in_dim3A = vector.shape_cast %reduce_sum3A_7 : vector<2048xf32> to vector<2048x1xf32>
    %sqrt3A = math.sqrt %broadcast_in_dim3A : vector<2048x1xf32>
    %max3A = arith.constant 9.99999993E-9 : f32
    %max3A_8 = vector.broadcast %max3A : f32 to vector<2048x1xf32>
    %max3A_9 = arith.maximumf %sqrt3A, %max3A_8 : vector<2048x1xf32>
    %div3A = vector.broadcast %max3A_9 : vector<2048x1xf32> to vector<2048x3xf32>
    %div3A_10 = arith.divf %sub3A, %div3A : vector<2048x3xf32>
    %mul3A_11 = arith.mulf %div3A_10, %div3A_10 : vector<2048x3xf32>
    %reduce_sum3A_12 = arith.constant dense<0.000000e+00> : vector<2048xf32>
    %reduce_sum3A_13 = vector.multi_reduction <add>, %mul3A_11, %reduce_sum3A_12 [1] : vector<2048x3xf32> to vector<2048xf32>
    %broadcast_in_dim3A_14 = vector.shape_cast %reduce_sum3A_13 : vector<2048xf32> to vector<2048x1xf32>
    %iota3A = tpu.iota {dimensions = array<i32: 1>} : vector<2048x16xi32>
    %convert_element_type3A = arith.sitofp %iota3A : vector<2048x16xi32> to vector<2048x16xf32>
    %add3A = arith.constant 1.000000e+00 : f32
    %add3A_15 = vector.broadcast %add3A : f32 to vector<2048x16xf32>
    %add3A_16 = arith.addf %convert_element_type3A, %add3A_15 : vector<2048x16xf32>
    %mul3A_17 = arith.constant 0.294117659 : f32
    %mul3A_18 = vector.broadcast %mul3A_17 : f32 to vector<2048x16xf32>
    %mul3A_19 = arith.mulf %add3A_16, %mul3A_18 : vector<2048x16xf32>
    %sub3A_20 = vector.broadcast %sqrt3A : vector<2048x1xf32> to vector<2048x16xf32>
    %sub3A_21 = arith.subf %sub3A_20, %mul3A_19 : vector<2048x16xf32>
    %div3A_22 = arith.constant 0.294117659 : f32
    %div3A_23 = vector.broadcast %div3A_22 : f32 to vector<2048x16xf32>
    %div3A_24 = arith.divf %sub3A_21, %div3A_23 : vector<2048x16xf32>
    %neg3A = arith.constant 0.000000e+00 : f32
    %neg3A_25 = vector.broadcast %neg3A : f32 to vector<2048x16xf32>
    %neg3A_26 = arith.subf %neg3A_25, %div3A_24 : vector<2048x16xf32>
    %mul3A_27 = arith.mulf %neg3A_26, %div3A_24 : vector<2048x16xf32>
    %exp3A = math.exp %mul3A_27 : vector<2048x16xf32>
    %mul3A_28 = arith.constant 3.57142854 : f32
    %mul3A_29 = vector.broadcast %mul3A_28 : f32 to vector<2048x16xf32>
    %mul3A_30 = arith.mulf %exp3A, %mul3A_29 : vector<2048x16xf32>
    %get3A_31 = arith.constant 0 : index
    %get3A_32 = arith.constant 0 : index
    %get3A_33 = vector.load %arg3[%get3A_31, %get3A_32] : memref<16x128xf32, #tpu.memory_space<vmem>>, vector<16x128xf32>
    %dot_general3A = arith.constant dense<0.000000e+00> : vector<2048x128xf32>
    %dot_general3A_34 = tpu.matmul %mul3A_30, %get3A_33, %dot_general3A {dimension_numbers = #tpu.dot_dimension_numbers<[1], [0], [0], [1], [0, 0, 1, 1], [], []>, precision = #tpu.contract_precision<fp32>, transpose_lhs_hint = false} : vector<2048x16xf32>, vector<16x128xf32>, vector<2048x128xf32> -> vector<2048x128xf32>
    %get3A_35 = arith.constant 0 : index
    %get3A_36 = arith.constant 0 : index
    %get3A_37 = vector.load %arg4[%get3A_35, %get3A_36] : memref<1x128xf32, #tpu.memory_space<vmem>>, vector<1x128xf32>
    %add3A_38 = vector.broadcast %get3A_37 : vector<1x128xf32> to vector<2048x128xf32>
    %add3A_39 = arith.addf %dot_general3A_34, %add3A_38 : vector<2048x128xf32>
    %logistic3A = arith.negf %add3A_39 : vector<2048x128xf32>
    %logistic3A_40 = math.exp %logistic3A : vector<2048x128xf32>
    %logistic3A_41 = arith.constant 1.000000e+00 : f32
    %logistic3A_42 = vector.broadcast %logistic3A_41 : f32 to vector<2048x128xf32>
    %logistic3A_43 = arith.addf %logistic3A_42, %logistic3A_40 : vector<2048x128xf32>
    %logistic3A_44 = arith.divf %logistic3A_42, %logistic3A_43 : vector<2048x128xf32>
    %mul3A_45 = arith.mulf %add3A_39, %logistic3A_44 : vector<2048x128xf32>
    %get3A_46 = arith.constant 0 : index
    %get3A_47 = arith.constant 0 : index
    %get3A_48 = vector.load %arg5[%get3A_46, %get3A_47] : memref<128x128xf32, #tpu.memory_space<vmem>>, vector<128x128xf32>
    %dot_general3A_49 = arith.constant dense<0.000000e+00> : vector<2048x128xf32>
    %dot_general3A_50 = tpu.matmul %mul3A_45, %get3A_48, %dot_general3A_49 {dimension_numbers = #tpu.dot_dimension_numbers<[1], [0], [0], [1], [0, 0, 1, 1], [], []>, precision = #tpu.contract_precision<fp32>, transpose_lhs_hint = false} : vector<2048x128xf32>, vector<128x128xf32>, vector<2048x128xf32> -> vector<2048x128xf32>
    %get3A_51 = arith.constant 0 : index
    %get3A_52 = arith.constant 0 : index
    %get3A_53 = vector.load %arg6[%get3A_51, %get3A_52] : memref<1x128xf32, #tpu.memory_space<vmem>>, vector<1x128xf32>
    %add3A_54 = vector.broadcast %get3A_53 : vector<1x128xf32> to vector<2048x128xf32>
    %add3A_55 = arith.addf %dot_general3A_50, %add3A_54 : vector<2048x128xf32>
    %logistic3A_56 = arith.negf %add3A_55 : vector<2048x128xf32>
    %logistic3A_57 = math.exp %logistic3A_56 : vector<2048x128xf32>
    %logistic3A_58 = arith.constant 1.000000e+00 : f32
    %logistic3A_59 = vector.broadcast %logistic3A_58 : f32 to vector<2048x128xf32>
    %logistic3A_60 = arith.addf %logistic3A_59, %logistic3A_57 : vector<2048x128xf32>
    %logistic3A_61 = arith.divf %logistic3A_59, %logistic3A_60 : vector<2048x128xf32>
    %mul3A_62 = arith.mulf %add3A_55, %logistic3A_61 : vector<2048x128xf32>
    %get3A_63 = arith.constant 0 : index
    %get3A_64 = arith.constant 0 : index
    %get3A_65 = vector.load %arg7[%get3A_63, %get3A_64] : memref<128x32xf32, #tpu.memory_space<vmem>>, vector<128x32xf32>
    %dot_general3A_66 = arith.constant dense<0.000000e+00> : vector<2048x32xf32>
    %dot_general3A_67 = tpu.matmul %mul3A_62, %get3A_65, %dot_general3A_66 {dimension_numbers = #tpu.dot_dimension_numbers<[1], [0], [0], [1], [0, 0, 1, 1], [], []>, precision = #tpu.contract_precision<fp32>, transpose_lhs_hint = false} : vector<2048x128xf32>, vector<128x32xf32>, vector<2048x32xf32> -> vector<2048x32xf32>
    %get3A_68 = arith.constant 0 : index
    %get3A_69 = arith.constant 0 : index
    %get3A_70 = vector.load %arg8[%get3A_68, %get3A_69] : memref<1x32xf32, #tpu.memory_space<vmem>>, vector<1x32xf32>
    %add3A_71 = vector.broadcast %get3A_70 : vector<1x32xf32> to vector<2048x32xf32>
    %add3A_72 = arith.addf %dot_general3A_67, %add3A_71 : vector<2048x32xf32>
    %get3A_73 = arith.constant 0 : index
    %get3A_74 = arith.constant 0 : index
    %get3A_75 = vector.load %arg9[%get3A_73, %get3A_74] : memref<8x256xf32, #tpu.memory_space<vmem>>, vector<8x256xf32>
    %dot_general3A_76 = arith.constant dense<0.000000e+00> : vector<2048x256xf32>
    %dot_general3A_77 = tpu.matmul %slice3A_5, %get3A_75, %dot_general3A_76 {dimension_numbers = #tpu.dot_dimension_numbers<[1], [0], [0], [1], [0, 0, 1, 1], [], []>, precision = #tpu.contract_precision<fp32>, transpose_lhs_hint = false} : vector<2048x8xf32>, vector<8x256xf32>, vector<2048x256xf32> -> vector<2048x256xf32>
    %mul3A_78 = arith.constant 2048 : i32
    %mul3A_79 = arith.muli %arg0, %mul3A_78 : i32
    %iota3A_80 = tpu.iota {dimensions = array<i32: 0>} : vector<2048x1xi32>
    %add3A_81 = vector.broadcast %mul3A_79 : i32 to vector<2048x1xi32>
    %add3A_82 = arith.addi %add3A_81, %iota3A_80 : vector<2048x1xi32>
    %lt3A = arith.constant 160000 : i32
    %lt3A_83 = vector.broadcast %lt3A : i32 to vector<2048x1xi32>
    %lt3A_84 = arith.cmpi slt, %add3A_82, %lt3A_83 : vector<2048x1xi32>
    %convert_element_type3A_85 = arith.extui %lt3A_84 : vector<2048x1xi1> to vector<2048x1xi32>
    %convert_element_type3A_86 = arith.sitofp %convert_element_type3A_85 : vector<2048x1xi32> to vector<2048x1xf32>
    %slice3A_87 = vector.extract_strided_slice %add3A_72 {offsets = [0, 0], sizes = [2048, 1], strides = [1, 1]} : vector<2048x32xf32> to vector<2048x1xf32>
    %mul3A_88 = arith.mulf %slice3A_87, %convert_element_type3A_86 : vector<2048x1xf32>
    %slice3A_89 = vector.extract_strided_slice %dot_general3A_77 {offsets = [0, 0], sizes = [2048, 64], strides = [1, 1]} : vector<2048x256xf32> to vector<2048x64xf32>
    %mul3A_90 = vector.broadcast %mul3A_88 : vector<2048x1xf32> to vector<2048x64xf32>
    %mul3A_91 = arith.mulf %mul3A_90, %slice3A_89 : vector<2048x64xf32>
    %slice3A_92 = vector.extract_strided_slice %add3A_72 {offsets = [0, 3], sizes = [2048, 1], strides = [1, 1]} : vector<2048x32xf32> to vector<2048x1xf32>
    %mul3A_93 = arith.mulf %slice3A_92, %broadcast_in_dim3A_14 : vector<2048x1xf32>
    %mul3A_94 = arith.mulf %mul3A_93, %convert_element_type3A_86 : vector<2048x1xf32>
    %slice3A_95 = vector.extract_strided_slice %dot_general3A_77 {offsets = [0, 192], sizes = [2048, 64], strides = [1, 1]} : vector<2048x256xf32> to vector<2048x64xf32>
    %mul3A_96 = vector.broadcast %mul3A_94 : vector<2048x1xf32> to vector<2048x64xf32>
    %mul3A_97 = arith.mulf %mul3A_96, %slice3A_95 : vector<2048x64xf32>
    %add3A_98 = arith.addf %mul3A_91, %mul3A_97 : vector<2048x64xf32>
    %slice3A_99 = vector.extract_strided_slice %add3A_72 {offsets = [0, 1], sizes = [2048, 1], strides = [1, 1]} : vector<2048x32xf32> to vector<2048x1xf32>
    %mul3A_100 = arith.mulf %slice3A_99, %convert_element_type3A_86 : vector<2048x1xf32>
    %slice3A_101 = vector.extract_strided_slice %dot_general3A_77 {offsets = [0, 64], sizes = [2048, 64], strides = [1, 1]} : vector<2048x256xf32> to vector<2048x64xf32>
    %mul3A_102 = vector.broadcast %mul3A_100 : vector<2048x1xf32> to vector<2048x64xf32>
    %mul3A_103 = arith.mulf %mul3A_102, %slice3A_101 : vector<2048x64xf32>
    %slice3A_104 = vector.extract_strided_slice %add3A_72 {offsets = [0, 2], sizes = [2048, 1], strides = [1, 1]} : vector<2048x32xf32> to vector<2048x1xf32>
    %mul3A_105 = arith.mulf %slice3A_104, %convert_element_type3A_86 : vector<2048x1xf32>
    %slice3A_106 = vector.extract_strided_slice %dot_general3A_77 {offsets = [0, 128], sizes = [2048, 64], strides = [1, 1]} : vector<2048x256xf32> to vector<2048x64xf32>
    %mul3A_107 = vector.broadcast %mul3A_105 : vector<2048x1xf32> to vector<2048x64xf32>
    %mul3A_108 = arith.mulf %mul3A_107, %slice3A_106 : vector<2048x64xf32>
    %add3A_109 = arith.addf %mul3A_103, %mul3A_108 : vector<2048x64xf32>
    %slice3A_110 = vector.extract_strided_slice %div3A_10 {offsets = [0, 0], sizes = [2048, 1], strides = [1, 1]} : vector<2048x3xf32> to vector<2048x1xf32>
    %mul3A_111 = vector.broadcast %slice3A_110 : vector<2048x1xf32> to vector<2048x64xf32>
    %mul3A_112 = arith.mulf %mul3A_111, %add3A_109 : vector<2048x64xf32>
    %concatenate3A = tpu.concatenate %add3A_98, %mul3A_112 in 1 : vector<2048x64xf32>, vector<2048x64xf32> -> vector<2048x128xf32>
    %mul3A_113 = arith.constant 6.250000e-02 : f32
    %mul3A_114 = vector.broadcast %mul3A_113 : f32 to vector<2048x128xf32>
    %mul3A_115 = arith.mulf %concatenate3A, %mul3A_114 : vector<2048x128xf32>
    %swap3A = arith.constant 0 : index
    %swap3A_116 = arith.constant 0 : index
    %swap3A_117 = vector.load %arg10[%swap3A, %swap3A_116] : memref<2048x256xf32, #tpu.memory_space<vmem>>, vector<2048x128xf32>
    tpu.vector_store %arg10[%swap3A, %swap3A_116], %mul3A_115 {strides = array<i32>} : memref<2048x256xf32, #tpu.memory_space<vmem>>, vector<2048x128xf32>,
    %slice3A_118 = vector.extract_strided_slice %div3A_10 {offsets = [0, 1], sizes = [2048, 1], strides = [1, 1]} : vector<2048x3xf32> to vector<2048x1xf32>
    %mul3A_119 = vector.broadcast %slice3A_118 : vector<2048x1xf32> to vector<2048x64xf32>
    %mul3A_120 = arith.mulf %mul3A_119, %add3A_109 : vector<2048x64xf32>
    %slice3A_121 = vector.extract_strided_slice %div3A_10 {offsets = [0, 2], sizes = [2048, 1], strides = [1, 1]} : vector<2048x3xf32> to vector<2048x1xf32>
    %mul3A_122 = vector.broadcast %slice3A_121 : vector<2048x1xf32> to vector<2048x64xf32>
    %mul3A_123 = arith.mulf %mul3A_122, %add3A_109 : vector<2048x64xf32>
    %concatenate3A_124 = tpu.concatenate %mul3A_120, %mul3A_123 in 1 : vector<2048x64xf32>, vector<2048x64xf32> -> vector<2048x128xf32>
    %mul3A_125 = arith.constant 6.250000e-02 : f32
    %mul3A_126 = vector.broadcast %mul3A_125 : f32 to vector<2048x128xf32>
    %mul3A_127 = arith.mulf %concatenate3A_124, %mul3A_126 : vector<2048x128xf32>
    %swap3A_128 = arith.constant 0 : index
    %swap3A_129 = arith.constant 128 : index
    %swap3A_130 = vector.load %arg10[%swap3A_128, %swap3A_129] : memref<2048x256xf32, #tpu.memory_space<vmem>>, vector<2048x128xf32>
    tpu.vector_store %arg10[%swap3A_128, %swap3A_129], %mul3A_127 {strides = array<i32>} : memref<2048x256xf32, #tpu.memory_space<vmem>>, vector<2048x128xf32>,
    %slice3A_131 = vector.extract_strided_slice %add3A_72 {offsets = [0, 16], sizes = [2048, 5], strides = [1, 1]} : vector<2048x32xf32> to vector<2048x5xf32>
    %concatenate3A_132 = tpu.concatenate %div3A_10, %slice3A_131 in 1 : vector<2048x3xf32>, vector<2048x5xf32> -> vector<2048x8xf32>
    %swap3A_133 = arith.constant 0 : index
    %swap3A_134 = arith.constant 0 : index
    %swap3A_135 = vector.load %arg11[%swap3A_133, %swap3A_134] : memref<2048x8xf32, #tpu.memory_space<vmem>>, vector<2048x8xf32>
    tpu.vector_store %arg11[%swap3A_133, %swap3A_134], %concatenate3A_132 {strides = array<i32>} : memref<2048x8xf32, #tpu.memory_space<vmem>>, vector<2048x8xf32>,
    return
  }
  func.func @transform_0(%arg0: i32) -> (i32, i32) {
    %c0_i32 = arith.constant 0 : i32
    %c0_i32_0 = arith.constant 0 : i32
    return %arg0, %c0_i32 : i32, i32
  }
  func.func @transform_1(%arg0: i32) -> (i32, i32) {
    %c0_i32 = arith.constant 0 : i32
    %c0_i32_0 = arith.constant 0 : i32
    return %arg0, %c0_i32 : i32, i32
  }
  func.func @transform_2(%arg0: i32) -> (i32, i32) {
    %c0_i32 = arith.constant 0 : i32
    %c0_i32_0 = arith.constant 0 : i32
    %c0_i32_1 = arith.constant 0 : i32
    return %c0_i32, %c0_i32_0 : i32, i32
  }
  func.func @transform_3(%arg0: i32) -> (i32, i32) {
    %c0_i32 = arith.constant 0 : i32
    %c0_i32_0 = arith.constant 0 : i32
    %c0_i32_1 = arith.constant 0 : i32
    return %c0_i32, %c0_i32_0 : i32, i32
  }
  func.func @transform_4(%arg0: i32) -> (i32, i32) {
    %c0_i32 = arith.constant 0 : i32
    %c0_i32_0 = arith.constant 0 : i32
    %c0_i32_1 = arith.constant 0 : i32
    return %c0_i32, %c0_i32_0 : i32, i32
  }
  func.func @transform_5(%arg0: i32) -> (i32, i32) {
    %c0_i32 = arith.constant 0 : i32
    %c0_i32_0 = arith.constant 0 : i32
    %c0_i32_1 = arith.constant 0 : i32
    return %c0_i32, %c0_i32_0 : i32, i32
  }
  func.func @transform_6(%arg0: i32) -> (i32, i32) {
    %c0_i32 = arith.constant 0 : i32
    %c0_i32_0 = arith.constant 0 : i32
    %c0_i32_1 = arith.constant 0 : i32
    return %c0_i32, %c0_i32_0 : i32, i32
  }
  func.func @transform_7(%arg0: i32) -> (i32, i32) {
    %c0_i32 = arith.constant 0 : i32
    %c0_i32_0 = arith.constant 0 : i32
    %c0_i32_1 = arith.constant 0 : i32
    return %c0_i32, %c0_i32_0 : i32, i32
  }
  func.func @transform_8(%arg0: i32) -> (i32, i32) {
    %c0_i32 = arith.constant 0 : i32
    %c0_i32_0 = arith.constant 0 : i32
    %c0_i32_1 = arith.constant 0 : i32
    return %c0_i32, %c0_i32_0 : i32, i32
  }
  func.func @transform_9(%arg0: i32) -> (i32, i32) {
    %c0_i32 = arith.constant 0 : i32
    %c0_i32_0 = arith.constant 0 : i32
    return %arg0, %c0_i32 : i32, i32
  }
  func.func @transform_10(%arg0: i32) -> (i32, i32) {
    %c0_i32 = arith.constant 0 : i32
    %c0_i32_0 = arith.constant 0 : i32
    return %arg0, %c0_i32 : i32, i32
  }
}

module attributes {stable_mosaic.version = 14 : i64} {
  func.func @edge_layer2(%arg0: i32, %arg1: memref<2048x256xf32, #tpu.memory_space<vmem>>, %arg2: memref<2048x8xf32, #tpu.memory_space<vmem>>, %arg3: memref<64x128xf32, #tpu.memory_space<vmem>>, %arg4: memref<64x128xf32, #tpu.memory_space<vmem>>, %arg5: memref<64x64xf32, #tpu.memory_space<vmem>>, %arg6: memref<2048x256xf32, #tpu.memory_space<vmem>>) attributes {dimension_semantics = [#tpu.dimension_semantics<arbitrary>], iteration_bounds = array<i64: 80>, scalar_prefetch = 0 : i64, scratch_operands = 0 : i64, tpu.core_type = #tpu.core_type<tc>, window_params = [{transform_indices = @transform_0, window_bounds = array<i64: 2048, 256>}, {transform_indices = @transform_1, window_bounds = array<i64: 2048, 8>}, {pipeline_mode = #tpu.pipeline_mode<synchronous>, transform_indices = @transform_2, window_bounds = array<i64: 64, 128>}, {pipeline_mode = #tpu.pipeline_mode<synchronous>, transform_indices = @transform_3, window_bounds = array<i64: 64, 128>}, {pipeline_mode = #tpu.pipeline_mode<synchronous>, transform_indices = @transform_4, window_bounds = array<i64: 64, 64>}, {transform_indices = @transform_5, window_bounds = array<i64: 2048, 256>}]} {
    %get3A = arith.constant 0 : index
    %get3A_0 = arith.constant 0 : index
    %get3A_1 = vector.load %arg1[%get3A, %get3A_0] : memref<2048x256xf32, #tpu.memory_space<vmem>>, vector<2048x256xf32>
    %get3A_2 = arith.constant 0 : index
    %get3A_3 = arith.constant 0 : index
    %get3A_4 = vector.load %arg2[%get3A_2, %get3A_3] : memref<2048x8xf32, #tpu.memory_space<vmem>>, vector<2048x8xf32>
    %slice3A = vector.extract_strided_slice %get3A_1 {offsets = [0, 0], sizes = [2048, 64], strides = [1, 1]} : vector<2048x256xf32> to vector<2048x64xf32>
    %slice3A_5 = vector.extract_strided_slice %get3A_1 {offsets = [0, 64], sizes = [2048, 64], strides = [1, 1]} : vector<2048x256xf32> to vector<2048x64xf32>
    %slice3A_6 = vector.extract_strided_slice %get3A_1 {offsets = [0, 128], sizes = [2048, 64], strides = [1, 1]} : vector<2048x256xf32> to vector<2048x64xf32>
    %slice3A_7 = vector.extract_strided_slice %get3A_1 {offsets = [0, 192], sizes = [2048, 64], strides = [1, 1]} : vector<2048x256xf32> to vector<2048x64xf32>
    %slice3A_8 = vector.extract_strided_slice %get3A_4 {offsets = [0, 0], sizes = [2048, 1], strides = [1, 1]} : vector<2048x8xf32> to vector<2048x1xf32>
    %slice3A_9 = vector.extract_strided_slice %get3A_4 {offsets = [0, 1], sizes = [2048, 1], strides = [1, 1]} : vector<2048x8xf32> to vector<2048x1xf32>
    %slice3A_10 = vector.extract_strided_slice %get3A_4 {offsets = [0, 2], sizes = [2048, 1], strides = [1, 1]} : vector<2048x8xf32> to vector<2048x1xf32>
    %slice3A_11 = vector.extract_strided_slice %get3A_4 {offsets = [0, 3], sizes = [2048, 1], strides = [1, 1]} : vector<2048x8xf32> to vector<2048x1xf32>
    %slice3A_12 = vector.extract_strided_slice %get3A_4 {offsets = [0, 4], sizes = [2048, 1], strides = [1, 1]} : vector<2048x8xf32> to vector<2048x1xf32>
    %slice3A_13 = vector.extract_strided_slice %get3A_4 {offsets = [0, 5], sizes = [2048, 1], strides = [1, 1]} : vector<2048x8xf32> to vector<2048x1xf32>
    %slice3A_14 = vector.extract_strided_slice %get3A_4 {offsets = [0, 6], sizes = [2048, 1], strides = [1, 1]} : vector<2048x8xf32> to vector<2048x1xf32>
    %slice3A_15 = vector.extract_strided_slice %get3A_4 {offsets = [0, 7], sizes = [2048, 1], strides = [1, 1]} : vector<2048x8xf32> to vector<2048x1xf32>
    %get3A_16 = arith.constant 0 : index
    %get3A_17 = arith.constant 0 : index
    %get3A_18 = vector.load %arg3[%get3A_16, %get3A_17] : memref<64x128xf32, #tpu.memory_space<vmem>>, vector<64x128xf32>
    %dot_general3A = arith.constant dense<0.000000e+00> : vector<2048x128xf32>
    %dot_general3A_19 = tpu.matmul %slice3A, %get3A_18, %dot_general3A {dimension_numbers = #tpu.dot_dimension_numbers<[1], [0], [0], [1], [0, 0, 1, 1], [], []>, precision = #tpu.contract_precision<fp32>, transpose_lhs_hint = false} : vector<2048x64xf32>, vector<64x128xf32>, vector<2048x128xf32> -> vector<2048x128xf32>
    %get3A_20 = arith.constant 0 : index
    %get3A_21 = arith.constant 0 : index
    %get3A_22 = vector.load %arg4[%get3A_20, %get3A_21] : memref<64x128xf32, #tpu.memory_space<vmem>>, vector<64x128xf32>
    %dot_general3A_23 = arith.constant dense<0.000000e+00> : vector<2048x128xf32>
    %dot_general3A_24 = tpu.matmul %slice3A_5, %get3A_22, %dot_general3A_23 {dimension_numbers = #tpu.dot_dimension_numbers<[1], [0], [0], [1], [0, 0, 1, 1], [], []>, precision = #tpu.contract_precision<fp32>, transpose_lhs_hint = false} : vector<2048x64xf32>, vector<64x128xf32>, vector<2048x128xf32> -> vector<2048x128xf32>
    %get3A_25 = arith.constant 0 : index
    %get3A_26 = arith.constant 0 : index
    %get3A_27 = vector.load %arg4[%get3A_25, %get3A_26] : memref<64x128xf32, #tpu.memory_space<vmem>>, vector<64x128xf32>
    %dot_general3A_28 = arith.constant dense<0.000000e+00> : vector<2048x128xf32>
    %dot_general3A_29 = tpu.matmul %slice3A_6, %get3A_27, %dot_general3A_28 {dimension_numbers = #tpu.dot_dimension_numbers<[1], [0], [0], [1], [0, 0, 1, 1], [], []>, precision = #tpu.contract_precision<fp32>, transpose_lhs_hint = false} : vector<2048x64xf32>, vector<64x128xf32>, vector<2048x128xf32> -> vector<2048x128xf32>
    %get3A_30 = arith.constant 0 : index
    %get3A_31 = arith.constant 0 : index
    %get3A_32 = vector.load %arg4[%get3A_30, %get3A_31] : memref<64x128xf32, #tpu.memory_space<vmem>>, vector<64x128xf32>
    %dot_general3A_33 = arith.constant dense<0.000000e+00> : vector<2048x128xf32>
    %dot_general3A_34 = tpu.matmul %slice3A_7, %get3A_32, %dot_general3A_33 {dimension_numbers = #tpu.dot_dimension_numbers<[1], [0], [0], [1], [0, 0, 1, 1], [], []>, precision = #tpu.contract_precision<fp32>, transpose_lhs_hint = false} : vector<2048x64xf32>, vector<64x128xf32>, vector<2048x128xf32> -> vector<2048x128xf32>
    %mul3A = vector.broadcast %slice3A_8 : vector<2048x1xf32> to vector<2048x64xf32>
    %mul3A_35 = arith.mulf %slice3A_5, %mul3A : vector<2048x64xf32>
    %mul3A_36 = vector.broadcast %slice3A_9 : vector<2048x1xf32> to vector<2048x64xf32>
    %mul3A_37 = arith.mulf %slice3A_6, %mul3A_36 : vector<2048x64xf32>
    %add3A = arith.addf %mul3A_35, %mul3A_37 : vector<2048x64xf32>
    %mul3A_38 = vector.broadcast %slice3A_10 : vector<2048x1xf32> to vector<2048x64xf32>
    %mul3A_39 = arith.mulf %slice3A_7, %mul3A_38 : vector<2048x64xf32>
    %add3A_40 = arith.addf %add3A, %mul3A_39 : vector<2048x64xf32>
    %get3A_41 = arith.constant 0 : index
    %get3A_42 = arith.constant 0 : index
    %get3A_43 = vector.load %arg5[%get3A_41, %get3A_42] : memref<64x64xf32, #tpu.memory_space<vmem>>, vector<64x64xf32>
    %dot_general3A_44 = arith.constant dense<0.000000e+00> : vector<2048x64xf32>
    %dot_general3A_45 = tpu.matmul %add3A_40, %get3A_43, %dot_general3A_44 {dimension_numbers = #tpu.dot_dimension_numbers<[1], [0], [0], [1], [0, 0, 1, 1], [], []>, precision = #tpu.contract_precision<fp32>, transpose_lhs_hint = false} : vector<2048x64xf32>, vector<64x64xf32>, vector<2048x64xf32> -> vector<2048x64xf32>
    %mul3A_46 = arith.constant 2048 : i32
    %mul3A_47 = arith.muli %arg0, %mul3A_46 : i32
    %iota3A = tpu.iota {dimensions = array<i32: 0>} : vector<2048x1xi32>
    %add3A_48 = vector.broadcast %mul3A_47 : i32 to vector<2048x1xi32>
    %add3A_49 = arith.addi %add3A_48, %iota3A : vector<2048x1xi32>
    %lt3A = arith.constant 160000 : i32
    %lt3A_50 = vector.broadcast %lt3A : i32 to vector<2048x1xi32>
    %lt3A_51 = arith.cmpi slt, %add3A_49, %lt3A_50 : vector<2048x1xi32>
    %convert_element_type3A = arith.extui %lt3A_51 : vector<2048x1xi1> to vector<2048x1xi32>
    %convert_element_type3A_52 = arith.sitofp %convert_element_type3A : vector<2048x1xi32> to vector<2048x1xf32>
    %mul3A_53 = arith.constant 6.250000e-02 : f32
    %mul3A_54 = vector.broadcast %mul3A_53 : f32 to vector<2048x1xf32>
    %mul3A_55 = arith.mulf %convert_element_type3A_52, %mul3A_54 : vector<2048x1xf32>
    %slice3A_56 = vector.extract_strided_slice %dot_general3A_19 {offsets = [0, 0], sizes = [2048, 64], strides = [1, 1]} : vector<2048x128xf32> to vector<2048x64xf32>
    %mul3A_57 = vector.broadcast %slice3A_11 : vector<2048x1xf32> to vector<2048x64xf32>
    %mul3A_58 = arith.mulf %mul3A_57, %slice3A_56 : vector<2048x64xf32>
    %mul3A_59 = vector.broadcast %slice3A_14 : vector<2048x1xf32> to vector<2048x64xf32>
    %mul3A_60 = arith.mulf %mul3A_59, %dot_general3A_45 : vector<2048x64xf32>
    %add3A_61 = arith.addf %mul3A_58, %mul3A_60 : vector<2048x64xf32>
    %mul3A_62 = vector.broadcast %mul3A_55 : vector<2048x1xf32> to vector<2048x64xf32>
    %mul3A_63 = arith.mulf %add3A_61, %mul3A_62 : vector<2048x64xf32>
    %slice3A_64 = vector.extract_strided_slice %dot_general3A_19 {offsets = [0, 64], sizes = [2048, 64], strides = [1, 1]} : vector<2048x128xf32> to vector<2048x64xf32>
    %mul3A_65 = vector.broadcast %slice3A_12 : vector<2048x1xf32> to vector<2048x64xf32>
    %mul3A_66 = arith.mulf %mul3A_65, %slice3A_64 : vector<2048x64xf32>
    %mul3A_67 = vector.broadcast %slice3A_8 : vector<2048x1xf32> to vector<2048x64xf32>
    %mul3A_68 = arith.mulf %mul3A_67, %mul3A_66 : vector<2048x64xf32>
    %slice3A_69 = vector.extract_strided_slice %dot_general3A_24 {offsets = [0, 0], sizes = [2048, 64], strides = [1, 1]} : vector<2048x128xf32> to vector<2048x64xf32>
    %mul3A_70 = vector.broadcast %slice3A_13 : vector<2048x1xf32> to vector<2048x64xf32>
    %mul3A_71 = arith.mulf %mul3A_70, %slice3A_69 : vector<2048x64xf32>
    %add3A_72 = arith.addf %mul3A_68, %mul3A_71 : vector<2048x64xf32>
    %slice3A_73 = vector.extract_strided_slice %dot_general3A_29 {offsets = [0, 64], sizes = [2048, 64], strides = [1, 1]} : vector<2048x128xf32> to vector<2048x64xf32>
    %mul3A_74 = vector.broadcast %slice3A_10 : vector<2048x1xf32> to vector<2048x64xf32>
    %mul3A_75 = arith.mulf %mul3A_74, %slice3A_73 : vector<2048x64xf32>
    %slice3A_76 = vector.extract_strided_slice %dot_general3A_34 {offsets = [0, 64], sizes = [2048, 64], strides = [1, 1]} : vector<2048x128xf32> to vector<2048x64xf32>
    %mul3A_77 = vector.broadcast %slice3A_9 : vector<2048x1xf32> to vector<2048x64xf32>
    %mul3A_78 = arith.mulf %mul3A_77, %slice3A_76 : vector<2048x64xf32>
    %sub3A = arith.subf %mul3A_75, %mul3A_78 : vector<2048x64xf32>
    %mul3A_79 = vector.broadcast %slice3A_15 : vector<2048x1xf32> to vector<2048x64xf32>
    %mul3A_80 = arith.mulf %mul3A_79, %sub3A : vector<2048x64xf32>
    %add3A_81 = arith.addf %add3A_72, %mul3A_80 : vector<2048x64xf32>
    %mul3A_82 = vector.broadcast %mul3A_55 : vector<2048x1xf32> to vector<2048x64xf32>
    %mul3A_83 = arith.mulf %add3A_81, %mul3A_82 : vector<2048x64xf32>
    %mul3A_84 = vector.broadcast %slice3A_9 : vector<2048x1xf32> to vector<2048x64xf32>
    %mul3A_85 = arith.mulf %mul3A_84, %mul3A_66 : vector<2048x64xf32>
    %slice3A_86 = vector.extract_strided_slice %dot_general3A_29 {offsets = [0, 0], sizes = [2048, 64], strides = [1, 1]} : vector<2048x128xf32> to vector<2048x64xf32>
    %mul3A_87 = vector.broadcast %slice3A_13 : vector<2048x1xf32> to vector<2048x64xf32>
    %mul3A_88 = arith.mulf %mul3A_87, %slice3A_86 : vector<2048x64xf32>
    %add3A_89 = arith.addf %mul3A_85, %mul3A_88 : vector<2048x64xf32>
    %slice3A_90 = vector.extract_strided_slice %dot_general3A_34 {offsets = [0, 64], sizes = [2048, 64], strides = [1, 1]} : vector<2048x128xf32> to vector<2048x64xf32>
    %mul3A_91 = vector.broadcast %slice3A_8 : vector<2048x1xf32> to vector<2048x64xf32>
    %mul3A_92 = arith.mulf %mul3A_91, %slice3A_90 : vector<2048x64xf32>
    %slice3A_93 = vector.extract_strided_slice %dot_general3A_24 {offsets = [0, 64], sizes = [2048, 64], strides = [1, 1]} : vector<2048x128xf32> to vector<2048x64xf32>
    %mul3A_94 = vector.broadcast %slice3A_10 : vector<2048x1xf32> to vector<2048x64xf32>
    %mul3A_95 = arith.mulf %mul3A_94, %slice3A_93 : vector<2048x64xf32>
    %sub3A_96 = arith.subf %mul3A_92, %mul3A_95 : vector<2048x64xf32>
    %mul3A_97 = vector.broadcast %slice3A_15 : vector<2048x1xf32> to vector<2048x64xf32>
    %mul3A_98 = arith.mulf %mul3A_97, %sub3A_96 : vector<2048x64xf32>
    %add3A_99 = arith.addf %add3A_89, %mul3A_98 : vector<2048x64xf32>
    %mul3A_100 = vector.broadcast %mul3A_55 : vector<2048x1xf32> to vector<2048x64xf32>
    %mul3A_101 = arith.mulf %add3A_99, %mul3A_100 : vector<2048x64xf32>
    %mul3A_102 = vector.broadcast %slice3A_10 : vector<2048x1xf32> to vector<2048x64xf32>
    %mul3A_103 = arith.mulf %mul3A_102, %mul3A_66 : vector<2048x64xf32>
    %slice3A_104 = vector.extract_strided_slice %dot_general3A_34 {offsets = [0, 0], sizes = [2048, 64], strides = [1, 1]} : vector<2048x128xf32> to vector<2048x64xf32>
    %mul3A_105 = vector.broadcast %slice3A_13 : vector<2048x1xf32> to vector<2048x64xf32>
    %mul3A_106 = arith.mulf %mul3A_105, %slice3A_104 : vector<2048x64xf32>
    %add3A_107 = arith.addf %mul3A_103, %mul3A_106 : vector<2048x64xf32>
    %slice3A_108 = vector.extract_strided_slice %dot_general3A_24 {offsets = [0, 64], sizes = [2048, 64], strides = [1, 1]} : vector<2048x128xf32> to vector<2048x64xf32>
    %mul3A_109 = vector.broadcast %slice3A_9 : vector<2048x1xf32> to vector<2048x64xf32>
    %mul3A_110 = arith.mulf %mul3A_109, %slice3A_108 : vector<2048x64xf32>
    %slice3A_111 = vector.extract_strided_slice %dot_general3A_29 {offsets = [0, 64], sizes = [2048, 64], strides = [1, 1]} : vector<2048x128xf32> to vector<2048x64xf32>
    %mul3A_112 = vector.broadcast %slice3A_8 : vector<2048x1xf32> to vector<2048x64xf32>
    %mul3A_113 = arith.mulf %mul3A_112, %slice3A_111 : vector<2048x64xf32>
    %sub3A_114 = arith.subf %mul3A_110, %mul3A_113 : vector<2048x64xf32>
    %mul3A_115 = vector.broadcast %slice3A_15 : vector<2048x1xf32> to vector<2048x64xf32>
    %mul3A_116 = arith.mulf %mul3A_115, %sub3A_114 : vector<2048x64xf32>
    %add3A_117 = arith.addf %add3A_107, %mul3A_116 : vector<2048x64xf32>
    %mul3A_118 = vector.broadcast %mul3A_55 : vector<2048x1xf32> to vector<2048x64xf32>
    %mul3A_119 = arith.mulf %add3A_117, %mul3A_118 : vector<2048x64xf32>
    %concatenate3A = tpu.concatenate %mul3A_63, %mul3A_83 in 1 : vector<2048x64xf32>, vector<2048x64xf32> -> vector<2048x128xf32>
    %swap3A = arith.constant 0 : index
    %swap3A_120 = arith.constant 0 : index
    %swap3A_121 = vector.load %arg6[%swap3A, %swap3A_120] : memref<2048x256xf32, #tpu.memory_space<vmem>>, vector<2048x128xf32>
    tpu.vector_store %arg6[%swap3A, %swap3A_120], %concatenate3A {strides = array<i32>} : memref<2048x256xf32, #tpu.memory_space<vmem>>, vector<2048x128xf32>,
    %concatenate3A_122 = tpu.concatenate %mul3A_101, %mul3A_119 in 1 : vector<2048x64xf32>, vector<2048x64xf32> -> vector<2048x128xf32>
    %swap3A_123 = arith.constant 0 : index
    %swap3A_124 = arith.constant 128 : index
    %swap3A_125 = vector.load %arg6[%swap3A_123, %swap3A_124] : memref<2048x256xf32, #tpu.memory_space<vmem>>, vector<2048x128xf32>
    tpu.vector_store %arg6[%swap3A_123, %swap3A_124], %concatenate3A_122 {strides = array<i32>} : memref<2048x256xf32, #tpu.memory_space<vmem>>, vector<2048x128xf32>,
    return
  }
  func.func @transform_0(%arg0: i32) -> (i32, i32) {
    %c0_i32 = arith.constant 0 : i32
    %c0_i32_0 = arith.constant 0 : i32
    return %arg0, %c0_i32 : i32, i32
  }
  func.func @transform_1(%arg0: i32) -> (i32, i32) {
    %c0_i32 = arith.constant 0 : i32
    %c0_i32_0 = arith.constant 0 : i32
    return %arg0, %c0_i32 : i32, i32
  }
  func.func @transform_2(%arg0: i32) -> (i32, i32) {
    %c0_i32 = arith.constant 0 : i32
    %c0_i32_0 = arith.constant 0 : i32
    %c0_i32_1 = arith.constant 0 : i32
    return %c0_i32, %c0_i32_0 : i32, i32
  }
  func.func @transform_3(%arg0: i32) -> (i32, i32) {
    %c0_i32 = arith.constant 0 : i32
    %c0_i32_0 = arith.constant 0 : i32
    %c0_i32_1 = arith.constant 0 : i32
    return %c0_i32, %c0_i32_0 : i32, i32
  }
  func.func @transform_4(%arg0: i32) -> (i32, i32) {
    %c0_i32 = arith.constant 0 : i32
    %c0_i32_0 = arith.constant 0 : i32
    %c0_i32_1 = arith.constant 0 : i32
    return %c0_i32, %c0_i32_0 : i32, i32
  }
  func.func @transform_5(%arg0: i32) -> (i32, i32) {
    %c0_i32 = arith.constant 0 : i32
    %c0_i32_0 = arith.constant 0 : i32
    return %arg0, %c0_i32 : i32, i32
  }
}

</mosaic_0001>

<sc_bundles>
// kernel: sc_gather2_d16.3.cloned.1.call-start
scs
__scs_entry_jumppad:
0x0: {  	(pc) =	sbr.rel $0x88, $3  }
0x1: {  	(tag) =	ssettag $0x0;
	lr =	simm.s32 $0x1  }
0x2: {  	[smem:$0x3F8A] =	sst lr;
	_ =	strace $0xD0000000  }
0x3: {  	_ = 	snop  }
0x4: {  	_ = 	snop  }
0x5: {  	_ = 	snop  }
0x6: {  	_ = 	snop  }
0x7: {  	_ = 	snop  }
__scs_overlays_trampoline_lowered:
0x8: {  	[smem:$0x3F99] =	sst s0  }
0x9: {  	[smem:$0x3F9A] =	sst s1  }
0xa: {  	[smem:$0x3F9B] =	sst s2  }
0xb: {  	[smem:$0x3F9C] =	sst s3  }
0xc: {  	[smem:$0x3F9D] =	sst s4  }
0xd: {  	[smem:$0x3F9E] =	sst s5  }
0xe: {  	[smem:$0x3F9F] =	sst s6  }
0xf: {  	[smem:$0x3FA0] =	sst s7  }
0x10: {  	[smem:$0x3FA1] =	sst s8  }
0x11: {  	[smem:$0x3FA2] =	sst s9;
	s0 =	simm.s32 @!p0 $0x0  }
0x12: {  	s1 =	sld [smem:$0x3F88];
	s0 =	simm.s32 @p0 $0x1  }
0x13: {  	[smem:$0x3FA3] =	sst s0;
	s0 =	simm.s32 @!p1 $0x0  }
0x14: {  	s2 =	sld [smem:$0x3F87];
	s0 =	simm.s32 @p1 $0x1  }
0x15: {  	[smem:$0x3FA4] =	sst s0;
	s0 =	simm.s32 @!p2 $0x0  }
0x16: {  	s3 =	sld [smem:$0x3FDB];
	s0 =	simm.s32 @p2 $0x1  }
0x17: {  	s4 =	simm.s32 $0x1BF5;
	[smem:$0x3FA6] =	sst s0  }
0x18: {  	s0 =	sld [smem:$0x3F89];
	_ =	swait.ge [sflag:s4], $0x0  }
0x19: {  	s7 =	sld [smem:$0x3F8A]  }
0x1a: {  	s8 =	sadd.s32 $0xFFFFE003, lr  }
0x1b: {  	s9 =	sadd.s32 $0xFFFFFEF7, lr;
	s5 =	simm.s32 $0xFFFFFFFF;
	p2 =	slt.u32 s8, $0xFFFFF086  }
0x1c: {  	p1 =	slt.u32 s9, $0xF7A;
	s5 =	simm.s32 @!p2 $0x0  }
0x1d: {  	s5 =	simm.s32 @p1 $0x1;
	p0 =	seq.s32 s7, s2  }
0x1e: {  	s7 =	smul.u32 @!p0 $0xF7A, s2;
	p2 =	seq.s32 @!p0 s5, $0x0  }
0x1f: {  	s9 =	smul.u32 $0xF7A, s1;
	s8 =	simm.s32 @!p0 $0x1BF5;
	p2 =	por !p2, p0  }
0x20: {  	[sflag:s8] =	ssyncset.s32 @!p0 $0xFFFFF086;
	s6 =	sadd.s32 @!p0 s3, s7;
	s7 =	simm.s32 @!p0 $0x108  }
0x21: {  	s3 =	sadd.s32 s3, s9;
	s6 =	sadd.s32 @!p0 $0x88, s6;
	s7 =	simm.s32 @p2 $0x1082  }
0x22: {  	[simem:s7], [sflag:s8] =	dma.local @!p0 [hbm:s6], $0xF7A  }
0x23: {  	s9 =	sor.u32 $0xD0000000, s2;
	s6 =	simm.s32 $0x108;
	_ =	swait.ge @!p0 [sflag:s8], $0x0  }
0x24: {  	s3 =	sadd.s32 $0x88, s3;
	s6 =	simm.s32 @!p1 $0x1082;
	[sflag:s4] =	ssyncset.s32 $0xFFFFF086  }
0x25: {  	[simem:s6], [sflag:s4] =	dma.local [hbm:s3], $0xF7A  }
0x26: {  	[smem:$0x3F8A] =	sst s1;
	(tag) =	ssettag s2;
	_ =	strace s9  }
0x27: {  	s1 =	sld [smem:$0x3F9A]  }
0x28: {  	s2 =	sld [smem:$0x3F9B]  }
0x29: {  	s4 =	sld [smem:$0x3F9D]  }
0x2a: {  	p0 =	seq.s32 s5, $0x0;
	s5 =	sld [smem:$0x3F9E]  }
0x2b: {  	s6 =	sld [smem:$0x3F9F]  }
0x2c: {  	s7 =	sld [smem:$0x3FA0]  }
0x2d: {  	s3 =	simm.s32 $0x108;
	s8 =	sld [smem:$0x3FA1]  }
0x2e: {  	s3 =	simm.s32 @!p0 $0x1082;
	s9 =	sld [smem:$0x3FA2]  }
0x2f: {  	lr =	sadd.s32 s0, s3;
	s0 =	sld [smem:$0x3F99]  }
0x30: {  	s3 =	sld [smem:$0x3F9C]  }
0x31: {  	[smem:$0x3FA5] =	sst s10  }
0x32: {  	s10 =	sld [smem:$0x3FA3];
	_ =	sdelay $0x3  }
0x33: {  	p0 =	seq.s32 s10, $0x1;
	s10 =	sld [smem:$0x3FA5];
	_ =	sdelay $0x3  }
0x34: {  	[smem:$0x3FA5] =	sst s10  }
0x35: {  	s10 =	sld [smem:$0x3FA4];
	_ =	sdelay $0x3  }
0x36: {  	p1 =	seq.s32 s10, $0x1;
	s10 =	sld [smem:$0x3FA5];
	_ =	sdelay $0x3  }
0x37: {  	[smem:$0x3FA5] =	sst s10  }
0x38: {  	s10 =	sld [smem:$0x3FA6]  }
0x39: {  	_ = 	snop;
	(pc) =	sbr.ind lr, $3  }
0x3a: {  	_ = 	snop  }
0x3b: {  	_ = 	snop  }
0x3c: {  	p2 =	seq.s32 s10, $0x1;
	s10 =	sld [smem:$0x3FA5]  }
0x3d: {  	_ =	shalt  }
0x3e: {  	_ =	shalt  }
0x3f: {  	_ =	shalt  }
0x40: {  	_ =	shalt  }
0x41: {  	_ =	shalt  }
0x42: {  	_ =	shalt  }
0x43: {  	_ =	shalt  }
0x44: {  	_ =	shalt  }
0x45: {  	_ =	shalt  }
0x46: {  	_ =	shalt  }
0x47: {  	_ =	shalt  }
0x48: {  	_ =	shalt  }
0x49: {  	_ =	shalt  }
0x4a: {  	_ =	shalt  }
0x4b: {  	_ =	shalt  }
0x4c: {  	_ =	shalt  }
0x4d: {  	_ =	shalt  }
0x4e: {  	_ =	shalt  }
0x4f: {  	_ =	shalt  }
0x50: {  	_ =	shalt  }
0x51: {  	_ =	shalt  }
0x52: {  	_ =	shalt  }
0x53: {  	_ =	shalt  }
0x54: {  	_ =	shalt  }
0x55: {  	_ =	shalt  }
0x56: {  	_ =	shalt  }
0x57: {  	_ =	shalt  }
0x58: {  	_ =	shalt  }
0x59: {  	_ =	shalt  }
0x5a: {  	_ =	shalt  }
0x5b: {  	_ =	shalt  }
0x5c: {  	_ =	shalt  }
0x5d: {  	_ =	shalt  }
0x5e: {  	_ =	shalt  }
0x5f: {  	_ =	shalt  }
0x60: {  	_ =	shalt  }
0x61: {  	_ =	shalt  }
0x62: {  	_ =	shalt  }
0x63: {  	_ =	shalt  }
0x64: {  	_ =	shalt  }
0x65: {  	_ =	shalt  }
0x66: {  	_ =	shalt  }
0x67: {  	_ =	shalt  }
0x68: {  	_ =	shalt  }
0x69: {  	_ =	shalt  }
0x6a: {  	_ =	shalt  }
0x6b: {  	_ =	shalt  }
0x6c: {  	_ =	shalt  }
0x6d: {  	_ =	shalt  }
0x6e: {  	_ =	shalt  }
0x6f: {  	_ =	shalt  }
0x70: {  	_ =	shalt  }
0x71: {  	_ =	shalt  }
0x72: {  	_ =	shalt  }
0x73: {  	_ =	shalt  }
0x74: {  	_ =	shalt  }
0x75: {  	_ =	shalt  }
0x76: {  	_ =	shalt  }
0x77: {  	_ =	shalt  }
0x78: {  	_ =	shalt  }
0x79: {  	_ =	shalt  }
0x7a: {  	_ =	shalt  }
0x7b: {  	_ =	shalt  }
0x7c: {  	_ =	shalt  }
0x7d: {  	_ =	shalt  }
0x7e: {  	_ =	shalt  }
0x7f: {  	_ =	shalt  }
0x80: {  	_ =	shalt  }
0x81: {  	_ =	shalt  }
0x82: {  	_ =	shalt  }
0x83: {  	_ =	shalt  }
0x84: {  	_ =	shalt  }
0x85: {  	_ =	shalt  }
0x86: {  	_ =	shalt  }
0x87: {  	_ =	shalt  }
.Lfunc_end0:
.L_simem_size_0:
called_computation_lowered:
.L_overlay_start_0:
0x88: {  	s2 =	sld [smem:$0x3FD9]  }
0x89: {  	s3 =	sld [smem:$0x3FFE];
	_ =	sdelay $0x1  }
0x8a: {  	s1 =	srdreg.scid  }
0x8b: {  	s0 =	sand.u32 $0x1, s1  }
0x8c: {  	s17 =	sshll.u32 s0, $0xA;
	s2 =	sadd.s32 s3, s2  }
0x8d: {  	s2 =	sadd.s32 s2, s17  }
0x8e: {  	[smem:$0x3FB1] =	sst s2  }
0x8f: {  	_ = 	snop  }
0x90: {  	s2 =	sld [smem:$0x3FD0];
	(tm) =	ssettm $0x1  }
0x91: {  	s18 =	sld [smem:$0x3FFB];
	_ =	sdelay $0x3  }
0x92: {  	_ =	strace s18  }
0x93: {  	s3 =	sld [smem:$0x3FFC];
	_ =	sdelay $0x3  }
0x94: {  	_ =	strace s3  }
0x95: {  	s3 =	sld [smem:$0x3FFD];
	_ =	sdelay $0x3  }
0x96: {  	_ =	strace s3  }
0x97: {  	_ =	strace $0x8FFFFFFF  }
0x98: {  	s19 =	sld [smem:$0x3FDB];
	_ =	sdelay $0x1  }
0x99: {  	s4 =	simm.s32 $_scs_section_size  }
0x9a: {  	s5 =	simm.s32 $_size__tile_overlayer_lowered;
	s6 =	simm.s32 $_tile_overlayer_lowered  }
0x9b: {  	s22 =	simm.s32 $0x1BFF;
	s21 =	sshll.u32 s6, $0x1;
	s3 =	sadd.s32 s4, s19  }
0x9c: {  	s7 =	simm.s32 $0x0;
	s20 =	sshll.u32 s5, $0x1;
	s5 =	sadd.s32 s21, s3  }
0x9d: {  	[timem:s7], [sflag:s22] =	dma.local [hbm:s5], s20  }
0x9e: {  	_ =	swait.ge [sflag:s22], s20  }
0x9f: {  	s4 =	ssub.s32 $0x0, s20;
	[sflag:s22] =	ssyncset.done $0x0  }
0xa0: {  	[sflag:s22] =	ssyncadd.s32 s4;
	_ =	sdelay $0x1  }
0xa1: {  	s23 =	simm.s32 $0x1B8B  }
0xa2: {  	_ =	swait.ge [sflag:s23], $0x1  }
0xa3: {  	[sflag:s23] =	ssyncset.done $0x0  }
0xa4: {  	s25 =	simm.s32 $0x1B8E;
	s24 =	sld [smem:$0x3FFE];
	[sflag:s23] =	ssyncadd.s32 $0xFFFFFFFF  }
0xa5: {  	s26 =	simm.s32 $execute0_lowered;
	[smem:$0x3FD2] =	sst s25  }
0xa6: {  	s5 =	sshll.u32 s26, $0x1;
	_ =	strace $0x80000046;
	[dreg:$0x1] =	wrdreg $0xFFFFFFFF  }
0xa7: {  	s28 =	simm.s32 $_size_execute0_lowered;
	s3 =	sadd.s32 s3, s5;
	[dreg:$0x0] =	wrdreg $0x0  }
0xa8: {  	s5 =	sshll.u32 s28, $0x1;
	[dreg:$0x2] =	wrdreg s3  }
0xa9: {  	[dreg:$0x3] =	wrdreg s5  }
0xaa: {  	[dreg:$0x4] =	wrdreg $0xC0  }
0xab: {  	_ =	task [dreg:s7], $0x5FFFF  }
0xac: {  	[dreg:$0x1] =	wrdreg $0xFFFFFFFF  }
0xad: {  	[dreg:$0x0] =	wrdreg $0x60  }
0xae: {  	[dreg:$0x2] =	wrdreg s24  }
0xaf: {  	[dreg:$0x3] =	wrdreg s2  }
0xb0: {  	[dreg:$0x4] =	wrdreg $0x9  }
0xb1: {  	_ =	task.clear_ibuf [dreg:s7], $0x5FFFF;
	_ =	strace $0x90000046  }
0xb2: {  	s29 =	simm.s32 $0x9;
	_ =	strace $0x80000048  }
0xb3: {  	_ =	swait.ge [sflag:s29], $0x1  }
0xb4: {  	[sflag:s29] =	ssyncadd.s32 $0xFFFFFFFF  }
0xb5: {  	_ =	strace $0x90000048  }
0xb6: {  	_ =	sfence  }
0xb7: {  	s30 =	sld [smem:$0x0];
	_ =	sdelay $0x2  }
0xb8: {  	s31 =	sshll.u32 s1, $0xD;
	s1 =	sshrl.u32 s1, $0x2  }
0xb9: {  	s3 =	sand.u32 $0x4000, s31;
	s1 =	sadd.s32 s1, s30  }
0xba: {  	s0 =	sor.u32 s3, s0;
	s1 =	sshll.u32 s1, $0x11  }
0xbb: {  	s0 =	sor.u32 s1, s0  }
0xbc: {  	s0 =	sadd.s32 $0x8F2B, s0  }
0xbd: {  	[sflag:s0] =	ssyncadd.remote.s32 $0x1  }
0xbe: {  	_ =	sfence.sel $0xFFFF  }
0xbf: {  	[dreg:$0x0] =	wrdreg $0xFFFFFFFF;
	(pc) =	sbr.abs _section_cstart, $3  }
0xc0: {  	[dreg:$0x1] =	wrdreg $0xFFFFFFFF  }
0xc1: {  	_ =	task.clear_ibuf [dreg:s7], $0x2FFFF;
	_ =	strace $0x9FFFFFFF  }
0xc2: {  	(tm) =	ssettm $0x7FFFFFFF  }
0xc3: {  	_ =	shalt  }
tec
execute0_lowered:
.L_overlay_start_1:
0x0: {  	(tag) =	ssettag $0x1  }
0x1: {  	s4 =	rddreg [dreg:$0x0]  }
0x2: {  	s5 =	rddreg [dreg:$0x1]  }
0x3: {  	s0 =	rddreg [dreg:$0x2]  }
0x4: {  	s3 =	srdreg.scid;
	s1 =	stileid.u32  }
0x5: {  	s2 =	simm.s32 $0x0;
	s11 =	simm.s32 $0x100;
	s12 =	simm.s32 $0x2  }
0x6: {  	s13 =	simm.s32 $0x900;
	s14 =	simm.s32 $0x3;
	s15 =	simm.s32 $0x4  }
0x7: {  	s16 =	simm.s32 $0x5;
	s6 =	sand.u32 $0x1, s3;
	s7 =	smul.u32 $0x2800, s1  }
0x8: {  	s17 =	simm.s32 $0x6;
	s18 =	simm.s32 $0x0;
	s8 =	smul.u32 $0x1400, s6  }
0x9: {  	[smem:$0x7FF] =	sst s2;
	s3 =	sadd.s32 $0xF000, s4;
	s29 =	smul.u32 $0x5000, s1  }
0xa: {  	_ =	strace $0x80000047;
	s9 =	ssub.s32 $0x2, s6;
	s7 =	sadd.s32 s8, s7  }
0xb: {  	s6 =	smul.u32 $0x2800, s6;
	s30 =	sshrl.u32 s9, $0x1;
	s7 =	sshrl.u32 s7, $0x3  }
0xc: {  	s8 =	sadd.s32 s29, s5;
	s10 =	sadd.s32 s7, s4;
	s4 =	sadd.s32 s29, s4  }
0xd: {  	s7 =	ssub.s32 s9, s30;
	s9 =	simm.s32 $0x80;
	s31 =	sadd.s32 s6, s4  }
0xe: {  	s4 =	smax.u32 s7, $0x1;
	s6 =	sadd.s32 s6, s8;
	s7 =	sadd.s32 $0x5000, s10  }
0xf: {  	s8 =	sadd.s32 $0xA000, s10;
	s10 =	simm.s32 $0x1;
	s5 =	sadd.s32 $0x14000, s31  }
.LBB2_1:
0x10: {  	s19 =	sadd.s32 $0x0, s8  }
0x11: {  	[tilespmem:s2], [sflag:$0x1] =	stream.linear.gather [hbm4b:s19+s2], $0x80, $0x38;
	[tilespmem:$0x1100] =	vst v63  }
0x12: {  	s31 =	sadd.s32 $0x0, s7  }
0x13: {  	[tilespmem:s9], [sflag:$0x2] =	stream.linear.gather [hbm4b:s31+s2], $0x80, $0x38;
	[tilespmem:$0x1100] =	vst v63  }
0x14: {  	_ =	swait.ge [sflag:s10], $0x80  }
0x15: {  	[sflag:s10] =	ssyncset.done $0x0  }
0x16: {  	[sflag:s10] =	ssyncadd.s32 $0xFFFFFF80  }
0x17: {  	[tilespmem:s11], [sflag:$0x3] =	stream.indirect.gather [hbm4b:s3+s9], $0x10, s2, s9, $0xb8;
	[tilespmem:$0x1100] =	vst v63  }
0x18: {  	_ =	swait.ge [sflag:s12], $0x80  }
0x19: {  	[sflag:s12] =	ssyncset.done $0x0  }
0x1a: {  	[sflag:s12] =	ssyncadd.s32 $0xFFFFFF80  }
0x1b: {  	[tilespmem:s13], [sflag:$0x4] =	stream.indirect.gather [hbm4b:s3+s9], $0x10, s9, s9, $0xb8;
	[tilespmem:$0x1100] =	vst v63  }
0x1c: {  	_ =	swait.ge [sflag:s14], $0x800  }
0x1d: {  	[sflag:s14] =	ssyncset.done $0x0  }
0x1e: {  	[sflag:s14] =	ssyncadd.s32 $0xFFFFF800  }
0x1f: {  	[hbm4b:s6+s2] =	stream.linear.scatter [tilespmem:s11], [sflag:$0x5], $0x800, $0x38;
	[tilespmem:$0x1100] =	vst v63  }
0x20: {  	_ =	swait.ge [sflag:s15], $0x800  }
0x21: {  	[sflag:s15] =	ssyncset.done $0x0  }
0x22: {  	[sflag:s15] =	ssyncadd.s32 $0xFFFFF800  }
0x23: {  	[hbm4b:s5+s2] =	stream.linear.scatter [tilespmem:s13], [sflag:$0x6], $0x800, $0x38;
	[tilespmem:$0x1100] =	vst v63  }
0x24: {  	_ =	swait.ge [sflag:s16], $0x800  }
0x25: {  	[sflag:s16] =	ssyncset.done $0x0  }
0x26: {  	[sflag:s16] =	ssyncadd.s32 $0xFFFFF800  }
0x27: {  	s21 =	simm.s32 $0x10;
	s22 =	simm.s32 $0x20;
	_ =	swait.ge [sflag:s17], $0x800  }
0x28: {  	s20 =	sadd.s32 $0x100, s6;
	s19 =	sadd.s32 $0x100, s5;
	[sflag:s17] =	ssyncset.done $0x0  }
.LBB2_2:
0x29: {  	s23 =	sadd.s32 s21, s8  }
0x2a: {  	[sflag:s17] =	ssyncadd.s32 $0xFFFFF800;
	s24 =	smov.u32 s22;
	s25 =	sadd.s32 $0x10, s22  }
0x2b: {  	[tilespmem:s2], [sflag:$0x1] =	stream.linear.gather [hbm4b:s23+s2], $0x80, $0x38;
	[tilespmem:$0x1100] =	vst v63  }
0x2c: {  	p0 =	sne.s32 s22, $0x270;
	s22 =	sadd.s32 s21, s7;
	s21 =	smov.u32 s24  }
0x2d: {  	[tilespmem:s9], [sflag:$0x2] =	stream.linear.gather [hbm4b:s22+s2], $0x80, $0x38;
	[tilespmem:$0x1100] =	vst v63  }
0x2e: {  	_ =	swait.ge [sflag:s10], $0x80  }
0x2f: {  	[sflag:s10] =	ssyncset.done $0x0  }
0x30: {  	[sflag:s10] =	ssyncadd.s32 $0xFFFFFF80  }
0x31: {  	[tilespmem:s11], [sflag:$0x3] =	stream.indirect.gather [hbm4b:s3+s9], $0x10, s2, s9, $0xb8;
	[tilespmem:$0x1100] =	vst v63  }
0x32: {  	_ =	swait.ge [sflag:s12], $0x80  }
0x33: {  	[sflag:s12] =	ssyncset.done $0x0  }
0x34: {  	[sflag:s12] =	ssyncadd.s32 $0xFFFFFF80  }
0x35: {  	[tilespmem:s13], [sflag:$0x4] =	stream.indirect.gather [hbm4b:s3+s9], $0x10, s9, s9, $0xb8;
	[tilespmem:$0x1100] =	vst v63  }
0x36: {  	_ =	swait.ge [sflag:s14], $0x800  }
0x37: {  	[sflag:s14] =	ssyncset.done $0x0  }
0x38: {  	[sflag:s14] =	ssyncadd.s32 $0xFFFFF800  }
0x39: {  	[hbm4b:s20+s2] =	stream.linear.scatter [tilespmem:s11], [sflag:$0x5], $0x800, $0x38;
	[tilespmem:$0x1100] =	vst v63  }
0x3a: {  	_ =	swait.ge [sflag:s15], $0x800  }
0x3b: {  	[sflag:s15] =	ssyncset.done $0x0  }
0x3c: {  	[sflag:s15] =	ssyncadd.s32 $0xFFFFF800  }
0x3d: {  	[hbm4b:s19+s2] =	stream.linear.scatter [tilespmem:s13], [sflag:$0x6], $0x800, $0x38;
	[tilespmem:$0x1100] =	vst v63  }
.Ltmp0:
0x3e: {  	_ =	swait.ge [sflag:s16], $0x800;
	(pc) =	sbr.rel @p0 .LBB2_2-.Ltmp0, $4  }
0x3f: {  	[sflag:s16] =	ssyncset.done $0x0  }
0x40: {  	[sflag:s16] =	ssyncadd.s32 $0xFFFFF800  }
0x41: {  	s22 =	smov.u32 s25;
	_ =	swait.ge [sflag:s17], $0x800  }
0x42: {  	s20 =	sadd.s32 $0x100, s20;
	s19 =	sadd.s32 $0x100, s19;
	[sflag:s17] =	ssyncset.done $0x0  }
0x43: {  	s22 =	sadd.s32 s21, s8;
	[sflag:s17] =	ssyncadd.s32 $0xFFFFF800  }
0x44: {  	[tilespmem:s2], [sflag:$0x1] =	stream.linear.gather [hbm4b:s22+s2], $0x80, $0x38;
	[tilespmem:$0x1100] =	vst v63  }
0x45: {  	s31 =	sadd.s32 s21, s7  }
0x46: {  	[tilespmem:s9], [sflag:$0x2] =	stream.linear.gather [hbm4b:s31+s2], $0x80, $0x38;
	[tilespmem:$0x1100] =	vst v63  }
0x47: {  	_ =	swait.ge [sflag:s10], $0x80  }
0x48: {  	[sflag:s10] =	ssyncset.done $0x0  }
0x49: {  	[sflag:s10] =	ssyncadd.s32 $0xFFFFFF80  }
0x4a: {  	[tilespmem:s11], [sflag:$0x3] =	stream.indirect.gather [hbm4b:s3+s9], $0x10, s2, s9, $0xb8;
	[tilespmem:$0x1100] =	vst v63  }
0x4b: {  	_ =	swait.ge [sflag:s12], $0x80  }
0x4c: {  	[sflag:s12] =	ssyncset.done $0x0  }
0x4d: {  	[sflag:s12] =	ssyncadd.s32 $0xFFFFFF80  }
0x4e: {  	[tilespmem:s13], [sflag:$0x4] =	stream.indirect.gather [hbm4b:s3+s9], $0x10, s9, s9, $0xb8;
	[tilespmem:$0x1100] =	vst v63  }
0x4f: {  	_ =	swait.ge [sflag:s14], $0x800  }
0x50: {  	[sflag:s14] =	ssyncset.done $0x0  }
0x51: {  	[sflag:s14] =	ssyncadd.s32 $0xFFFFF800  }
0x52: {  	[hbm4b:s20+s2] =	stream.linear.scatter [tilespmem:s11], [sflag:$0x5], $0x800, $0x38;
	[tilespmem:$0x1100] =	vst v63  }
0x53: {  	_ =	swait.ge [sflag:s15], $0x800  }
0x54: {  	[sflag:s15] =	ssyncset.done $0x0  }
0x55: {  	s18 =	sadd.s32 $0x1, s18;
	[sflag:s15] =	ssyncadd.s32 $0xFFFFF800  }
0x56: {  	[hbm4b:s19+s2] =	stream.linear.scatter [tilespmem:s13], [sflag:$0x6], $0x800, $0x38;
	[tilespmem:$0x1100] =	vst v63  }
0x57: {  	p0 =	sne.s32 s18, s4;
	_ =	swait.ge [sflag:s16], $0x800  }
.Ltmp1:
0x58: {  	[sflag:s16] =	ssyncset.done $0x0;
	(pc) =	sbr.rel @p0 .LBB2_1-.Ltmp1, $4  }
0x59: {  	[sflag:s16] =	ssyncadd.s32 $0xFFFFF800  }
0x5a: {  	_ =	swait.ge [sflag:s17], $0x800  }
0x5b: {  	[sflag:s17] =	ssyncset.done $0x0  }
0x5c: {  	[sflag:s17] =	ssyncadd.s32 $0xFFFFF800  }
0x5d: {  	_ =	sfence.sel $0x180000  }
0x5e: {  	[bflag:$0x0] =	sbarrier.arrive $0xFFFF  }
0x5f: {  	p0 =	sne.s32 s1, $0x0;
	_ =	strace $0x90000047  }
0x60: {  	s0 =	sadd.s32 @!p0 $0x100000, s0;
	[bflag:$0x2] =	sbarrier.arrive $0xFFFF  }
0x61: {  	[sflag:s0] =	ssyncadd.tile.s32 @!p0 $0x1;
	_ =	shalt  }
.Lfunc_end2:
_tile_overlayer_lowered:
.L_overlay_start_2:
0x62: {  	(tag) =	ssettag $0x2  }
0x63: {  	s0 =	rddreg [dreg:$0x0];
	s2 =	stileid.u32  }
0x64: {  	s1 =	rddreg [dreg:$0x1];
	p0 =	sne.s32 s2, $0x0  }
0x65: {  	s3 =	rddreg [dreg:$0x2];
	[bflag:$0x3] =	sbarrier.arrive $0xFFFF;
	s2 =	simm.s32 @!p0 $0x1C07  }
0x66: {  	[timem:s3], [sflag:s2] =	dma.local @!p0 [hbm:s0], s1  }
0x67: {  	s0 =	simm.s32 @!p0 $0x7  }
0x68: {  	_ =	swait.ge @!p0 [sflag:s0], s1  }
0x69: {  	s1 =	ssub.s32 @!p0 $0x0, s1;
	[sflag:s0] =	ssyncset.done @!p0 $0x0  }
0x6a: {  	[sflag:s0] =	ssyncadd.s32 @!p0 s1  }
0x6b: {  	[bflag:$0x3] =	sbarrier.arrive $0xFFFF  }
0x6c: {  	_ =	shalt  }

// kernel: sc_gather_d256.3.cloned.1.call-start
scs
__scs_entry_jumppad:
0x0: {  	(pc) =	sbr.rel $0x88, $3  }
0x1: {  	(tag) =	ssettag $0x0;
	lr =	simm.s32 $0x1  }
0x2: {  	[smem:$0x3F8A] =	sst lr;
	_ =	strace $0xD0000000  }
0x3: {  	_ = 	snop  }
0x4: {  	_ = 	snop  }
0x5: {  	_ = 	snop  }
0x6: {  	_ = 	snop  }
0x7: {  	_ = 	snop  }
__scs_overlays_trampoline_lowered:
0x8: {  	[smem:$0x3F99] =	sst s0  }
0x9: {  	[smem:$0x3F9A] =	sst s1  }
0xa: {  	[smem:$0x3F9B] =	sst s2  }
0xb: {  	[smem:$0x3F9C] =	sst s3  }
0xc: {  	[smem:$0x3F9D] =	sst s4  }
0xd: {  	[smem:$0x3F9E] =	sst s5  }
0xe: {  	[smem:$0x3F9F] =	sst s6  }
0xf: {  	[smem:$0x3FA0] =	sst s7  }
0x10: {  	[smem:$0x3FA1] =	sst s8  }
0x11: {  	[smem:$0x3FA2] =	sst s9;
	s0 =	simm.s32 @!p0 $0x0  }
0x12: {  	s1 =	sld [smem:$0x3F88];
	s0 =	simm.s32 @p0 $0x1  }
0x13: {  	[smem:$0x3FA3] =	sst s0;
	s0 =	simm.s32 @!p1 $0x0  }
0x14: {  	s2 =	sld [smem:$0x3F87];
	s0 =	simm.s32 @p1 $0x1  }
0x15: {  	[smem:$0x3FA4] =	sst s0;
	s0 =	simm.s32 @!p2 $0x0  }
0x16: {  	s3 =	sld [smem:$0x3FDB];
	s0 =	simm.s32 @p2 $0x1  }
0x17: {  	s4 =	simm.s32 $0x1BF5;
	[smem:$0x3FA6] =	sst s0  }
0x18: {  	s0 =	sld [smem:$0x3F89];
	_ =	swait.ge [sflag:s4], $0x0  }
0x19: {  	s7 =	sld [smem:$0x3F8A]  }
0x1a: {  	s8 =	sadd.s32 $0xFFFFE003, lr  }
0x1b: {  	s9 =	sadd.s32 $0xFFFFFEF7, lr;
	s5 =	simm.s32 $0xFFFFFFFF;
	p2 =	slt.u32 s8, $0xFFFFF086  }
0x1c: {  	p1 =	slt.u32 s9, $0xF7A;
	s5 =	simm.s32 @!p2 $0x0  }
0x1d: {  	s5 =	simm.s32 @p1 $0x1;
	p0 =	seq.s32 s7, s2  }
0x1e: {  	s7 =	smul.u32 @!p0 $0xF7A, s2;
	p2 =	seq.s32 @!p0 s5, $0x0  }
0x1f: {  	s9 =	smul.u32 $0xF7A, s1;
	s8 =	simm.s32 @!p0 $0x1BF5;
	p2 =	por !p2, p0  }
0x20: {  	[sflag:s8] =	ssyncset.s32 @!p0 $0xFFFFF086;
	s6 =	sadd.s32 @!p0 s3, s7;
	s7 =	simm.s32 @!p0 $0x108  }
0x21: {  	s3 =	sadd.s32 s3, s9;
	s6 =	sadd.s32 @!p0 $0x88, s6;
	s7 =	simm.s32 @p2 $0x1082  }
0x22: {  	[simem:s7], [sflag:s8] =	dma.local @!p0 [hbm:s6], $0xF7A  }
0x23: {  	s9 =	sor.u32 $0xD0000000, s2;
	s6 =	simm.s32 $0x108;
	_ =	swait.ge @!p0 [sflag:s8], $0x0  }
0x24: {  	s3 =	sadd.s32 $0x88, s3;
	s6 =	simm.s32 @!p1 $0x1082;
	[sflag:s4] =	ssyncset.s32 $0xFFFFF086  }
0x25: {  	[simem:s6], [sflag:s4] =	dma.local [hbm:s3], $0xF7A  }
0x26: {  	[smem:$0x3F8A] =	sst s1;
	(tag) =	ssettag s2;
	_ =	strace s9  }
0x27: {  	s1 =	sld [smem:$0x3F9A]  }
0x28: {  	s2 =	sld [smem:$0x3F9B]  }
0x29: {  	s4 =	sld [smem:$0x3F9D]  }
0x2a: {  	p0 =	seq.s32 s5, $0x0;
	s5 =	sld [smem:$0x3F9E]  }
0x2b: {  	s6 =	sld [smem:$0x3F9F]  }
0x2c: {  	s7 =	sld [smem:$0x3FA0]  }
0x2d: {  	s3 =	simm.s32 $0x108;
	s8 =	sld [smem:$0x3FA1]  }
0x2e: {  	s3 =	simm.s32 @!p0 $0x1082;
	s9 =	sld [smem:$0x3FA2]  }
0x2f: {  	lr =	sadd.s32 s0, s3;
	s0 =	sld [smem:$0x3F99]  }
0x30: {  	s3 =	sld [smem:$0x3F9C]  }
0x31: {  	[smem:$0x3FA5] =	sst s10  }
0x32: {  	s10 =	sld [smem:$0x3FA3];
	_ =	sdelay $0x3  }
0x33: {  	p0 =	seq.s32 s10, $0x1;
	s10 =	sld [smem:$0x3FA5];
	_ =	sdelay $0x3  }
0x34: {  	[smem:$0x3FA5] =	sst s10  }
0x35: {  	s10 =	sld [smem:$0x3FA4];
	_ =	sdelay $0x3  }
0x36: {  	p1 =	seq.s32 s10, $0x1;
	s10 =	sld [smem:$0x3FA5];
	_ =	sdelay $0x3  }
0x37: {  	[smem:$0x3FA5] =	sst s10  }
0x38: {  	s10 =	sld [smem:$0x3FA6]  }
0x39: {  	_ = 	snop;
	(pc) =	sbr.ind lr, $3  }
0x3a: {  	_ = 	snop  }
0x3b: {  	_ = 	snop  }
0x3c: {  	p2 =	seq.s32 s10, $0x1;
	s10 =	sld [smem:$0x3FA5]  }
0x3d: {  	_ =	shalt  }
0x3e: {  	_ =	shalt  }
0x3f: {  	_ =	shalt  }
0x40: {  	_ =	shalt  }
0x41: {  	_ =	shalt  }
0x42: {  	_ =	shalt  }
0x43: {  	_ =	shalt  }
0x44: {  	_ =	shalt  }
0x45: {  	_ =	shalt  }
0x46: {  	_ =	shalt  }
0x47: {  	_ =	shalt  }
0x48: {  	_ =	shalt  }
0x49: {  	_ =	shalt  }
0x4a: {  	_ =	shalt  }
0x4b: {  	_ =	shalt  }
0x4c: {  	_ =	shalt  }
0x4d: {  	_ =	shalt  }
0x4e: {  	_ =	shalt  }
0x4f: {  	_ =	shalt  }
0x50: {  	_ =	shalt  }
0x51: {  	_ =	shalt  }
0x52: {  	_ =	shalt  }
0x53: {  	_ =	shalt  }
0x54: {  	_ =	shalt  }
0x55: {  	_ =	shalt  }
0x56: {  	_ =	shalt  }
0x57: {  	_ =	shalt  }
0x58: {  	_ =	shalt  }
0x59: {  	_ =	shalt  }
0x5a: {  	_ =	shalt  }
0x5b: {  	_ =	shalt  }
0x5c: {  	_ =	shalt  }
0x5d: {  	_ =	shalt  }
0x5e: {  	_ =	shalt  }
0x5f: {  	_ =	shalt  }
0x60: {  	_ =	shalt  }
0x61: {  	_ =	shalt  }
0x62: {  	_ =	shalt  }
0x63: {  	_ =	shalt  }
0x64: {  	_ =	shalt  }
0x65: {  	_ =	shalt  }
0x66: {  	_ =	shalt  }
0x67: {  	_ =	shalt  }
0x68: {  	_ =	shalt  }
0x69: {  	_ =	shalt  }
0x6a: {  	_ =	shalt  }
0x6b: {  	_ =	shalt  }
0x6c: {  	_ =	shalt  }
0x6d: {  	_ =	shalt  }
0x6e: {  	_ =	shalt  }
0x6f: {  	_ =	shalt  }
0x70: {  	_ =	shalt  }
0x71: {  	_ =	shalt  }
0x72: {  	_ =	shalt  }
0x73: {  	_ =	shalt  }
0x74: {  	_ =	shalt  }
0x75: {  	_ =	shalt  }
0x76: {  	_ =	shalt  }
0x77: {  	_ =	shalt  }
0x78: {  	_ =	shalt  }
0x79: {  	_ =	shalt  }
0x7a: {  	_ =	shalt  }
0x7b: {  	_ =	shalt  }
0x7c: {  	_ =	shalt  }
0x7d: {  	_ =	shalt  }
0x7e: {  	_ =	shalt  }
0x7f: {  	_ =	shalt  }
0x80: {  	_ =	shalt  }
0x81: {  	_ =	shalt  }
0x82: {  	_ =	shalt  }
0x83: {  	_ =	shalt  }
0x84: {  	_ =	shalt  }
0x85: {  	_ =	shalt  }
0x86: {  	_ =	shalt  }
0x87: {  	_ =	shalt  }
.Lfunc_end0:
.L_simem_size_0:
called_computation.2_lowered:
.L_overlay_start_0:
0x88: {  	s2 =	sld [smem:$0x3FD9]  }
0x89: {  	s3 =	sld [smem:$0x3FFE];
	_ =	sdelay $0x1  }
0x8a: {  	s1 =	srdreg.scid  }
0x8b: {  	s0 =	sand.u32 $0x1, s1  }
0x8c: {  	s16 =	sshll.u32 s0, $0xA;
	s2 =	sadd.s32 s3, s2  }
0x8d: {  	s2 =	sadd.s32 s2, s16  }
0x8e: {  	[smem:$0x3FB1] =	sst s2  }
0x8f: {  	_ = 	snop  }
0x90: {  	(tm) =	ssettm $0x1  }
0x91: {  	s17 =	sld [smem:$0x3FFB];
	_ =	sdelay $0x3  }
0x92: {  	_ =	strace s17  }
0x93: {  	s2 =	sld [smem:$0x3FFC];
	_ =	sdelay $0x3  }
0x94: {  	_ =	strace s2  }
0x95: {  	s2 =	sld [smem:$0x3FFD];
	_ =	sdelay $0x3  }
0x96: {  	_ =	strace s2  }
0x97: {  	_ =	strace $0x8FFFFFFF  }
0x98: {  	s18 =	sld [smem:$0x3FDB];
	_ =	sdelay $0x1  }
0x99: {  	s19 =	simm.s32 $_scs_section_size  }
0x9a: {  	s4 =	simm.s32 $_size__tile_overlayer_lowered;
	s5 =	simm.s32 $_tile_overlayer_lowered  }
0x9b: {  	s22 =	simm.s32 $0x1BFF;
	s21 =	sshll.u32 s5, $0x1;
	s2 =	sadd.s32 s19, s18  }
0x9c: {  	s6 =	simm.s32 $0x0;
	s20 =	sshll.u32 s4, $0x1;
	s4 =	sadd.s32 s21, s2  }
0x9d: {  	[timem:s6], [sflag:s22] =	dma.local [hbm:s4], s20  }
0x9e: {  	_ =	swait.ge [sflag:s22], s20  }
0x9f: {  	s3 =	ssub.s32 $0x0, s20;
	[sflag:s22] =	ssyncset.done $0x0  }
0xa0: {  	[sflag:s22] =	ssyncadd.s32 s3;
	_ =	sdelay $0x1  }
0xa1: {  	s23 =	simm.s32 $0x1B8B  }
0xa2: {  	_ =	swait.ge [sflag:s23], $0x1  }
0xa3: {  	[sflag:s23] =	ssyncset.done $0x0  }
0xa4: {  	s25 =	simm.s32 $0x1B8E;
	s24 =	sld [smem:$0x3FFE];
	[sflag:s23] =	ssyncadd.s32 $0xFFFFFFFF  }
0xa5: {  	s26 =	simm.s32 $execute0_lowered;
	[smem:$0x3FD2] =	sst s25  }
0xa6: {  	s4 =	sshll.u32 s26, $0x1;
	_ =	strace $0x8000004C;
	[dreg:$0x1] =	wrdreg $0xFFFFFFFF  }
0xa7: {  	s28 =	simm.s32 $_size_execute0_lowered;
	s2 =	sadd.s32 s2, s4;
	[dreg:$0x0] =	wrdreg $0x0  }
0xa8: {  	s4 =	sshll.u32 s28, $0x1;
	[dreg:$0x2] =	wrdreg s2  }
0xa9: {  	[dreg:$0x3] =	wrdreg s4  }
0xaa: {  	[dreg:$0x4] =	wrdreg $0xC0  }
0xab: {  	_ =	task [dreg:s6], $0x5FFFF  }
0xac: {  	[dreg:$0x1] =	wrdreg $0xFFFFFFFF  }
0xad: {  	[dreg:$0x0] =	wrdreg $0x60  }
0xae: {  	[dreg:$0x2] =	wrdreg s24  }
0xaf: {  	[dreg:$0x3] =	wrdreg $0x9  }
0xb0: {  	_ =	task.clear_ibuf [dreg:s6], $0x4FFFF;
	_ =	strace $0x9000004C  }
0xb1: {  	s29 =	simm.s32 $0x9;
	_ =	strace $0x8000004E  }
0xb2: {  	_ =	swait.ge [sflag:s29], $0x1  }
0xb3: {  	[sflag:s29] =	ssyncadd.s32 $0xFFFFFFFF  }
0xb4: {  	_ =	strace $0x9000004E  }
0xb5: {  	_ =	sfence  }
0xb6: {  	s30 =	sld [smem:$0x0];
	_ =	sdelay $0x2  }
0xb7: {  	s31 =	sshll.u32 s1, $0xD;
	s1 =	sshrl.u32 s1, $0x2  }
0xb8: {  	s3 =	sand.u32 $0x4000, s31;
	s1 =	sadd.s32 s1, s30  }
0xb9: {  	s0 =	sor.u32 s3, s0;
	s1 =	sshll.u32 s1, $0x11  }
0xba: {  	s0 =	sor.u32 s1, s0  }
0xbb: {  	s0 =	sadd.s32 $0x8F2B, s0  }
0xbc: {  	[sflag:s0] =	ssyncadd.remote.s32 $0x1  }
0xbd: {  	_ =	sfence.sel $0xFFFF  }
0xbe: {  	[dreg:$0x0] =	wrdreg $0xFFFFFFFF;
	(pc) =	sbr.abs _section_cstart, $3  }
0xbf: {  	[dreg:$0x1] =	wrdreg $0xFFFFFFFF  }
0xc0: {  	_ =	task.clear_ibuf [dreg:s6], $0x2FFFF;
	_ =	strace $0x9FFFFFFF  }
0xc1: {  	(tm) =	ssettm $0x7FFFFFFF  }
tec
execute0_lowered:
.L_overlay_start_1:
0x0: {  	(tag) =	ssettag $0x1  }
0x1: {  	s0 =	stileid.u32;
	s1 =	srdreg.scid  }
0x2: {  	s4 =	sand.u32 $0x1, s1;
	s8 =	smul.u32 $0x2800, s0  }
0x3: {  	s2 =	smul.u32 $0x1400, s4;
	_ =	sdelay $0x1  }
0x4: {  	s5 =	rddreg [dreg:$0x0];
	s3 =	sadd.s32 s2, s8;
	s2 =	simm.s32 $0x0  }
0x5: {  	s9 =	simm.s32 $0x80;
	[smem:$0x7FF] =	sst s2  }
0x6: {  	s10 =	simm.s32 $0x900;
	_ =	strace $0x8000004D;
	[dreg:$0x4] =	wrdreg s9  }
0x7: {  	s11 =	simm.s32 $0x1100;
	[dreg:$0x5] =	wrdreg s10  }
0x8: {  	s12 =	simm.s32 $0x1900;
	[dreg:$0x6] =	wrdreg s11  }
0x9: {  	s14 =	simm.s32 $0x2100;
	[dreg:$0x7] =	wrdreg s12  }
0xa: {  	s15 =	simm.s32 $0x2900;
	[dreg:$0x8] =	wrdreg s14  }
0xb: {  	s16 =	simm.s32 $0x3100;
	[dreg:$0x9] =	wrdreg s15  }
0xc: {  	s18 =	simm.s32 $0x3900;
	s19 =	simm.s32 $0x4100;
	[dreg:$0xa] =	wrdreg s16  }
0xd: {  	s20 =	simm.s32 $0x4900;
	s22 =	simm.s32 $0x5100;
	[dreg:$0xb] =	wrdreg s18  }
0xe: {  	s24 =	simm.s32 $0x5900;
	s25 =	simm.s32 $0x6100;
	[dreg:$0xc] =	wrdreg s19  }
0xf: {  	s26 =	simm.s32 $0x6900;
	s30 =	simm.s32 $0x7100;
	[dreg:$0xd] =	wrdreg s20  }
0x10: {  	s31 =	simm.s32 $0x7900;
	s28 =	simm.s32 $0x6;
	[dreg:$0xe] =	wrdreg s22  }
0x11: {  	s29 =	simm.s32 $0x0;
	s7 =	sadd.s32 $0xA000, s5;
	[dreg:$0xf] =	wrdreg s24  }
0x12: {  	s13 =	smul.u32 $0x50000, s0;
	s17 =	ssub.s32 $0x2, s4;
	[dreg:$0x10] =	wrdreg s25  }
0x13: {  	s21 =	smul.u32 $0x28000, s4;
	s8 =	sshrl.u32 s17, $0x1;
	[dreg:$0x11] =	wrdreg s26  }
0x14: {  	s6 =	sor.u32 $0x80, s3;
	s3 =	sshrl.u32 s3, $0x3;
	[dreg:$0x12] =	wrdreg s30  }
0x15: {  	s6 =	sshrl.u32 s6, $0x3;
	s3 =	sadd.s32 s3, s7;
	[dreg:$0x13] =	wrdreg s31  }
0x16: {  	s10 =	simm.s32 $0x8900;
	s9 =	simm.s32 $0x8100;
	s11 =	simm.s32 $0x9900  }
0x17: {  	s12 =	simm.s32 $0xA100;
	s14 =	simm.s32 $0xB100;
	s15 =	simm.s32 $0xB900  }
0x18: {  	s16 =	simm.s32 $0xC100;
	s18 =	simm.s32 $0xD100;
	s19 =	simm.s32 $0xD900  }
0x19: {  	s20 =	simm.s32 $0xE100;
	s22 =	simm.s32 $0xF100;
	s24 =	simm.s32 $0x3  }
0x1a: {  	s25 =	simm.s32 $0x4;
	s26 =	simm.s32 $0x5;
	s6 =	sadd.s32 s6, s7  }
0x1b: {  	[dreg:$0x3] =	wrdreg s3;
	s3 =	sadd.s32 $0x11800, s5;
	s5 =	sadd.s32 s13, s5  }
0x1c: {  	s7 =	ssub.s32 s17, s8;
	s8 =	simm.s32 $0x2;
	[dreg:$0x14] =	wrdreg s10  }
0x1d: {  	s10 =	simm.s32 $0x9100;
	s13 =	simm.s32 $0xA900;
	s17 =	simm.s32 $0xC900  }
0x1e: {  	v2 =	vlaneseq.u32;
	[dreg:$0x2] =	wrdreg s6;
	s23 =	smax.u32 s7, $0x1;
	s5 =	sadd.s32 s21, s5  }
0x1f: {  	vm0 =	vmmov $0xffff;
	v1 =	vshrl.u32 v2, $0x3;
	s6 =	simm.s32 $0x1;
	s7 =	simm.s32 $0x100;
	s21 =	simm.s32 $0xE900  }
0x20: {  	v0 =	vand.u32 $0x7, v2;
	v2 =	vor.u32 $0x8, v2;
	v1 =	vmul.u32 $0x8, v1;
	[dreg:$0x15] =	wrdreg s23;
	s5 =	sadd.s32 $0x62800, s5;
	s23 =	simm.s32 $0xF900  }
.LBB2_1:
0x21: {  	s30 =	smov.u32 s5;
	s31 =	simm.s32 $0x0  }
.LBB2_2:
0x22: {  	s1 =	rddreg [dreg:$0x3]  }
0x23: {  	s0 =	rddreg [dreg:$0x2];
	s1 =	sadd.s32 s31, s1  }
0x24: {  	[tilespmem:s2], [sflag:$0x1] =	stream.linear.gather [hbm4b:s1+s2], $0x80, $0x38;
	[tilespmem:$0x10100] =	vst v63  }
0x25: {  	s4 =	rddreg [dreg:$0x4];
	s0 =	sadd.s32 s31, s0  }
0x26: {  	[tilespmem:s4], [sflag:$0x2] =	stream.linear.gather [hbm4b:s0+s2], $0x80, $0x38;
	[tilespmem:$0x10100] =	vst v63  }
0x27: {  	_ =	swait.ge [sflag:s6], $0x80  }
0x28: {  	[sflag:s6] =	ssyncset.done $0x0  }
0x29: {  	[sflag:s6] =	ssyncadd.s32 $0xFFFFFF80  }
0x2a: {  	v3 =	vld [tilespmem:$0x0];
	_ =	sdelay $0x4  }
0x2b: {  	v4 =	vshll.u32 v3, $0x1  }
0x2c: {  	v3 =	vand.u32 $0x7, v3;
	v4 =	vand.u32 $0xFFFFFFF0, v4  }
0x2d: {  	v3 =	vor.u32 v3, v4  }
0x2e: {  	v4 =	vperm.xlane v3, v0;
	_ =	sdelay $0x1  }
0x2f: {  	v3 =	vperm.xlane v3, v2;
	v4 =	vadd.s32 v1, v4;
	_ =	sdelay $0x1  }
0x30: {  	v3 =	vadd.s32 v1, v3;
	_ =	sdelay $0x2  }
0x31: {  	[tilespmem:s7], [sflag:$0x3] =	stream.indirect_vreg.gather [hbm4b:s3+s2], $0x80, v4, vm0, $0xb8;
	[tilespmem:$0x10100] =	vst v63  }
0x32: {  	s4 =	rddreg [dreg:$0x5]  }
0x33: {  	[tilespmem:s4], [sflag:$0x3] =	stream.indirect_vreg.gather [hbm4b:s3+s2], $0x80, v3, vm0, $0xb8;
	[tilespmem:$0x10100] =	vst v63  }
0x34: {  	v3 =	vld [tilespmem:$0x10];
	_ =	sdelay $0x4  }
0x35: {  	v49 =	vshll.u32 v3, $0x1  }
0x36: {  	v3 =	vand.u32 $0x7, v3;
	v4 =	vand.u32 $0xFFFFFFF0, v49  }
0x37: {  	v3 =	vor.u32 v3, v4  }
0x38: {  	v4 =	vperm.xlane v3, v0;
	_ =	sdelay $0x1  }
0x39: {  	v3 =	vperm.xlane v3, v2;
	v4 =	vadd.s32 v1, v4;
	_ =	sdelay $0x1  }
0x3a: {  	v3 =	vadd.s32 v1, v3;
	_ =	sdelay $0x1  }
0x3b: {  	s1 =	rddreg [dreg:$0x6]  }
0x3c: {  	[tilespmem:s1], [sflag:$0x3] =	stream.indirect_vreg.gather [hbm4b:s3+s2], $0x80, v4, vm0, $0xb8;
	[tilespmem:$0x10100] =	vst v63  }
0x3d: {  	s4 =	rddreg [dreg:$0x7]  }
0x3e: {  	[tilespmem:s4], [sflag:$0x3] =	stream.indirect_vreg.gather [hbm4b:s3+s2], $0x80, v3, vm0, $0xb8;
	[tilespmem:$0x10100] =	vst v63  }
0x3f: {  	v3 =	vld [tilespmem:$0x20];
	_ =	sdelay $0x4  }
0x40: {  	v50 =	vshll.u32 v3, $0x1  }
0x41: {  	v3 =	vand.u32 $0x7, v3;
	v4 =	vand.u32 $0xFFFFFFF0, v50  }
0x42: {  	v3 =	vor.u32 v3, v4  }
0x43: {  	v4 =	vperm.xlane v3, v0;
	_ =	sdelay $0x1  }
0x44: {  	v3 =	vperm.xlane v3, v2;
	v4 =	vadd.s32 v1, v4;
	_ =	sdelay $0x1  }
0x45: {  	v3 =	vadd.s32 v1, v3;
	_ =	sdelay $0x1  }
0x46: {  	s1 =	rddreg [dreg:$0x8]  }
0x47: {  	[tilespmem:s1], [sflag:$0x3] =	stream.indirect_vreg.gather [hbm4b:s3+s2], $0x80, v4, vm0, $0xb8;
	[tilespmem:$0x10100] =	vst v63  }
0x48: {  	s4 =	rddreg [dreg:$0x9]  }
0x49: {  	[tilespmem:s4], [sflag:$0x3] =	stream.indirect_vreg.gather [hbm4b:s3+s2], $0x80, v3, vm0, $0xb8;
	[tilespmem:$0x10100] =	vst v63  }
0x4a: {  	v3 =	vld [tilespmem:$0x30];
	_ =	sdelay $0x4  }
0x4b: {  	v51 =	vshll.u32 v3, $0x1  }
0x4c: {  	v3 =	vand.u32 $0x7, v3;
	v4 =	vand.u32 $0xFFFFFFF0, v51  }
0x4d: {  	v3 =	vor.u32 v3, v4  }
0x4e: {  	v4 =	vperm.xlane v3, v0;
	_ =	sdelay $0x1  }
0x4f: {  	v3 =	vperm.xlane v3, v2;
	v4 =	vadd.s32 v1, v4;
	_ =	sdelay $0x1  }
0x50: {  	v3 =	vadd.s32 v1, v3;
	_ =	sdelay $0x1  }
0x51: {  	s1 =	rddreg [dreg:$0xa]  }
0x52: {  	[tilespmem:s1], [sflag:$0x3] =	stream.indirect_vreg.gather [hbm4b:s3+s2], $0x80, v4, vm0, $0xb8;
	[tilespmem:$0x10100] =	vst v63  }
0x53: {  	s4 =	rddreg [dreg:$0xb]  }
0x54: {  	[tilespmem:s4], [sflag:$0x3] =	stream.indirect_vreg.gather [hbm4b:s3+s2], $0x80, v3, vm0, $0xb8;
	[tilespmem:$0x10100] =	vst v63  }
0x55: {  	v3 =	vld [tilespmem:$0x40];
	_ =	sdelay $0x4  }
0x56: {  	v52 =	vshll.u32 v3, $0x1  }
0x57: {  	v3 =	vand.u32 $0x7, v3;
	v4 =	vand.u32 $0xFFFFFFF0, v52  }
0x58: {  	v3 =	vor.u32 v3, v4  }
0x59: {  	v4 =	vperm.xlane v3, v0;
	_ =	sdelay $0x1  }
0x5a: {  	v3 =	vperm.xlane v3, v2;
	v4 =	vadd.s32 v1, v4;
	_ =	sdelay $0x1  }
0x5b: {  	v3 =	vadd.s32 v1, v3;
	_ =	sdelay $0x1  }
0x5c: {  	s1 =	rddreg [dreg:$0xc]  }
0x5d: {  	[tilespmem:s1], [sflag:$0x3] =	stream.indirect_vreg.gather [hbm4b:s3+s2], $0x80, v4, vm0, $0xb8;
	[tilespmem:$0x10100] =	vst v63  }
0x5e: {  	s4 =	rddreg [dreg:$0xd]  }
0x5f: {  	[tilespmem:s4], [sflag:$0x3] =	stream.indirect_vreg.gather [hbm4b:s3+s2], $0x80, v3, vm0, $0xb8;
	[tilespmem:$0x10100] =	vst v63  }
0x60: {  	v3 =	vld [tilespmem:$0x50];
	_ =	sdelay $0x4  }
0x61: {  	v53 =	vshll.u32 v3, $0x1  }
0x62: {  	v3 =	vand.u32 $0x7, v3;
	v4 =	vand.u32 $0xFFFFFFF0, v53  }
0x63: {  	v3 =	vor.u32 v3, v4  }
0x64: {  	v4 =	vperm.xlane v3, v0;
	_ =	sdelay $0x1  }
0x65: {  	v3 =	vperm.xlane v3, v2;
	v4 =	vadd.s32 v1, v4;
	_ =	sdelay $0x1  }
0x66: {  	v3 =	vadd.s32 v1, v3;
	_ =	sdelay $0x1  }
0x67: {  	s1 =	rddreg [dreg:$0xe]  }
0x68: {  	[tilespmem:s1], [sflag:$0x3] =	stream.indirect_vreg.gather [hbm4b:s3+s2], $0x80, v4, vm0, $0xb8;
	[tilespmem:$0x10100] =	vst v63  }
0x69: {  	s4 =	rddreg [dreg:$0xf]  }
0x6a: {  	[tilespmem:s4], [sflag:$0x3] =	stream.indirect_vreg.gather [hbm4b:s3+s2], $0x80, v3, vm0, $0xb8;
	[tilespmem:$0x10100] =	vst v63  }
0x6b: {  	v3 =	vld [tilespmem:$0x60];
	_ =	sdelay $0x4  }
0x6c: {  	v54 =	vshll.u32 v3, $0x1  }
0x6d: {  	v3 =	vand.u32 $0x7, v3;
	v4 =	vand.u32 $0xFFFFFFF0, v54  }
0x6e: {  	v3 =	vor.u32 v3, v4  }
0x6f: {  	v4 =	vperm.xlane v3, v0;
	_ =	sdelay $0x1  }
0x70: {  	v3 =	vperm.xlane v3, v2;
	v4 =	vadd.s32 v1, v4;
	_ =	sdelay $0x1  }
0x71: {  	v3 =	vadd.s32 v1, v3;
	_ =	sdelay $0x1  }
0x72: {  	s1 =	rddreg [dreg:$0x10]  }
0x73: {  	[tilespmem:s1], [sflag:$0x3] =	stream.indirect_vreg.gather [hbm4b:s3+s2], $0x80, v4, vm0, $0xb8;
	[tilespmem:$0x10100] =	vst v63  }
0x74: {  	s4 =	rddreg [dreg:$0x11]  }
0x75: {  	[tilespmem:s4], [sflag:$0x3] =	stream.indirect_vreg.gather [hbm4b:s3+s2], $0x80, v3, vm0, $0xb8;
	[tilespmem:$0x10100] =	vst v63  }
0x76: {  	v3 =	vld [tilespmem:$0x70];
	_ =	sdelay $0x4  }
0x77: {  	v55 =	vshll.u32 v3, $0x1  }
0x78: {  	v3 =	vand.u32 $0x7, v3;
	v4 =	vand.u32 $0xFFFFFFF0, v55  }
0x79: {  	v3 =	vor.u32 v3, v4  }
0x7a: {  	v4 =	vperm.xlane v3, v0;
	_ =	sdelay $0x1  }
0x7b: {  	v3 =	vperm.xlane v3, v2;
	v4 =	vadd.s32 v1, v4;
	_ =	sdelay $0x1  }
0x7c: {  	v3 =	vadd.s32 v1, v3;
	_ =	sdelay $0x1  }
0x7d: {  	s1 =	rddreg [dreg:$0x12]  }
0x7e: {  	[tilespmem:s1], [sflag:$0x3] =	stream.indirect_vreg.gather [hbm4b:s3+s2], $0x80, v4, vm0, $0xb8;
	[tilespmem:$0x10100] =	vst v63  }
0x7f: {  	s4 =	rddreg [dreg:$0x13]  }
0x80: {  	[tilespmem:s4], [sflag:$0x3] =	stream.indirect_vreg.gather [hbm4b:s3+s2], $0x80, v3, vm0, $0xb8;
	[tilespmem:$0x10100] =	vst v63  }
0x81: {  	_ =	swait.ge [sflag:s8], $0x80  }
0x82: {  	[sflag:s8] =	ssyncset.done $0x0  }
0x83: {  	[sflag:s8] =	ssyncadd.s32 $0xFFFFFF80  }
0x84: {  	v3 =	vld [tilespmem:$0x80];
	_ =	sdelay $0x4  }
0x85: {  	v56 =	vshll.u32 v3, $0x1  }
0x86: {  	v3 =	vand.u32 $0x7, v3;
	v4 =	vand.u32 $0xFFFFFFF0, v56  }
0x87: {  	v3 =	vor.u32 v3, v4  }
0x88: {  	v4 =	vperm.xlane v3, v0;
	_ =	sdelay $0x1  }
0x89: {  	v3 =	vperm.xlane v3, v2;
	v4 =	vadd.s32 v1, v4;
	_ =	sdelay $0x1  }
0x8a: {  	v3 =	vadd.s32 v1, v3;
	_ =	sdelay $0x2  }
0x8b: {  	[tilespmem:s9], [sflag:$0x4] =	stream.indirect_vreg.gather [hbm4b:s3+s2], $0x80, v4, vm0, $0xb8;
	[tilespmem:$0x10100] =	vst v63  }
0x8c: {  	s1 =	rddreg [dreg:$0x14]  }
0x8d: {  	[tilespmem:s1], [sflag:$0x4] =	stream.indirect_vreg.gather [hbm4b:s3+s2], $0x80, v3, vm0, $0xb8;
	[tilespmem:$0x10100] =	vst v63  }
0x8e: {  	v3 =	vld [tilespmem:$0x90];
	_ =	sdelay $0x4  }
0x8f: {  	v57 =	vshll.u32 v3, $0x1  }
0x90: {  	v3 =	vand.u32 $0x7, v3;
	v4 =	vand.u32 $0xFFFFFFF0, v57  }
0x91: {  	v3 =	vor.u32 v3, v4  }
0x92: {  	v4 =	vperm.xlane v3, v0;
	_ =	sdelay $0x1  }
0x93: {  	v3 =	vperm.xlane v3, v2;
	v4 =	vadd.s32 v1, v4;
	_ =	sdelay $0x1  }
0x94: {  	v3 =	vadd.s32 v1, v3;
	_ =	sdelay $0x2  }
0x95: {  	[tilespmem:s10], [sflag:$0x4] =	stream.indirect_vreg.gather [hbm4b:s3+s2], $0x80, v4, vm0, $0xb8;
	[tilespmem:$0x10100] =	vst v63  }
0x96: {  	_ = 	snop  }
0x97: {  	[tilespmem:s11], [sflag:$0x4] =	stream.indirect_vreg.gather [hbm4b:s3+s2], $0x80, v3, vm0, $0xb8;
	[tilespmem:$0x10100] =	vst v63  }
0x98: {  	v3 =	vld [tilespmem:$0xA0];
	_ =	sdelay $0x4  }
0x99: {  	v58 =	vshll.u32 v3, $0x1  }
0x9a: {  	v3 =	vand.u32 $0x7, v3;
	v4 =	vand.u32 $0xFFFFFFF0, v58  }
0x9b: {  	v3 =	vor.u32 v3, v4  }
0x9c: {  	v4 =	vperm.xlane v3, v0;
	_ =	sdelay $0x1  }
0x9d: {  	v3 =	vperm.xlane v3, v2;
	v4 =	vadd.s32 v1, v4;
	_ =	sdelay $0x1  }
0x9e: {  	v3 =	vadd.s32 v1, v3;
	_ =	sdelay $0x2  }
0x9f: {  	[tilespmem:s12], [sflag:$0x4] =	stream.indirect_vreg.gather [hbm4b:s3+s2], $0x80, v4, vm0, $0xb8;
	[tilespmem:$0x10100] =	vst v63  }
0xa0: {  	_ = 	snop  }
0xa1: {  	[tilespmem:s13], [sflag:$0x4] =	stream.indirect_vreg.gather [hbm4b:s3+s2], $0x80, v3, vm0, $0xb8;
	[tilespmem:$0x10100] =	vst v63  }
0xa2: {  	v3 =	vld [tilespmem:$0xB0];
	_ =	sdelay $0x4  }
0xa3: {  	v59 =	vshll.u32 v3, $0x1  }
0xa4: {  	v3 =	vand.u32 $0x7, v3;
	v4 =	vand.u32 $0xFFFFFFF0, v59  }
0xa5: {  	v3 =	vor.u32 v3, v4  }
0xa6: {  	v4 =	vperm.xlane v3, v0;
	_ =	sdelay $0x1  }
0xa7: {  	v3 =	vperm.xlane v3, v2;
	v4 =	vadd.s32 v1, v4;
	_ =	sdelay $0x1  }
0xa8: {  	v3 =	vadd.s32 v1, v3;
	_ =	sdelay $0x2  }
0xa9: {  	[tilespmem:s14], [sflag:$0x4] =	stream.indirect_vreg.gather [hbm4b:s3+s2], $0x80, v4, vm0, $0xb8;
	[tilespmem:$0x10100] =	vst v63  }
0xaa: {  	_ = 	snop  }
0xab: {  	[tilespmem:s15], [sflag:$0x4] =	stream.indirect_vreg.gather [hbm4b:s3+s2], $0x80, v3, vm0, $0xb8;
	[tilespmem:$0x10100] =	vst v63  }
0xac: {  	v3 =	vld [tilespmem:$0xC0];
	_ =	sdelay $0x4  }
0xad: {  	v60 =	vshll.u32 v3, $0x1  }
0xae: {  	v3 =	vand.u32 $0x7, v3;
	v4 =	vand.u32 $0xFFFFFFF0, v60  }
0xaf: {  	v3 =	vor.u32 v3, v4  }
0xb0: {  	v4 =	vperm.xlane v3, v0;
	_ =	sdelay $0x1  }
0xb1: {  	v3 =	vperm.xlane v3, v2;
	v4 =	vadd.s32 v1, v4;
	_ =	sdelay $0x1  }
0xb2: {  	v3 =	vadd.s32 v1, v3;
	_ =	sdelay $0x2  }
0xb3: {  	[tilespmem:s16], [sflag:$0x4] =	stream.indirect_vreg.gather [hbm4b:s3+s2], $0x80, v4, vm0, $0xb8;
	[tilespmem:$0x10100] =	vst v63  }
0xb4: {  	_ = 	snop  }
0xb5: {  	[tilespmem:s17], [sflag:$0x4] =	stream.indirect_vreg.gather [hbm4b:s3+s2], $0x80, v3, vm0, $0xb8;
	[tilespmem:$0x10100] =	vst v63  }
0xb6: {  	v3 =	vld [tilespmem:$0xD0];
	_ =	sdelay $0x4  }
0xb7: {  	v61 =	vshll.u32 v3, $0x1  }
0xb8: {  	v3 =	vand.u32 $0x7, v3;
	v4 =	vand.u32 $0xFFFFFFF0, v61  }
0xb9: {  	v3 =	vor.u32 v3, v4  }
0xba: {  	v4 =	vperm.xlane v3, v0;
	_ =	sdelay $0x1  }
0xbb: {  	v3 =	vperm.xlane v3, v2;
	v4 =	vadd.s32 v1, v4;
	_ =	sdelay $0x1  }
0xbc: {  	v3 =	vadd.s32 v1, v3;
	_ =	sdelay $0x2  }
0xbd: {  	[tilespmem:s18], [sflag:$0x4] =	stream.indirect_vreg.gather [hbm4b:s3+s2], $0x80, v4, vm0, $0xb8;
	[tilespmem:$0x10100] =	vst v63  }
0xbe: {  	_ = 	snop  }
0xbf: {  	[tilespmem:s19], [sflag:$0x4] =	stream.indirect_vreg.gather [hbm4b:s3+s2], $0x80, v3, vm0, $0xb8;
	[tilespmem:$0x10100] =	vst v63  }
0xc0: {  	v3 =	vld [tilespmem:$0xE0];
	_ =	sdelay $0x4  }
0xc1: {  	v62 =	vshll.u32 v3, $0x1  }
0xc2: {  	v3 =	vand.u32 $0x7, v3;
	v4 =	vand.u32 $0xFFFFFFF0, v62  }
0xc3: {  	v3 =	vor.u32 v3, v4  }
0xc4: {  	v4 =	vperm.xlane v3, v0;
	_ =	sdelay $0x1  }
0xc5: {  	v3 =	vperm.xlane v3, v2;
	v4 =	vadd.s32 v1, v4;
	_ =	sdelay $0x1  }
0xc6: {  	v3 =	vadd.s32 v1, v3;
	_ =	sdelay $0x2  }
0xc7: {  	[tilespmem:s20], [sflag:$0x4] =	stream.indirect_vreg.gather [hbm4b:s3+s2], $0x80, v4, vm0, $0xb8;
	[tilespmem:$0x10100] =	vst v63  }
0xc8: {  	_ = 	snop  }
0xc9: {  	[tilespmem:s21], [sflag:$0x4] =	stream.indirect_vreg.gather [hbm4b:s3+s2], $0x80, v3, vm0, $0xb8;
	[tilespmem:$0x10100] =	vst v63  }
0xca: {  	v3 =	vld [tilespmem:$0xF0];
	_ =	sdelay $0x4  }
0xcb: {  	v63 =	vshll.u32 v3, $0x1  }
0xcc: {  	v3 =	vand.u32 $0x7, v3;
	v4 =	vand.u32 $0xFFFFFFF0, v63  }
0xcd: {  	v3 =	vor.u32 v3, v4  }
0xce: {  	v4 =	vperm.xlane v3, v0;
	_ =	sdelay $0x1  }
0xcf: {  	v3 =	vperm.xlane v3, v2;
	v4 =	vadd.s32 v1, v4;
	_ =	sdelay $0x1  }
0xd0: {  	v3 =	vadd.s32 v1, v3;
	_ =	sdelay $0x2  }
0xd1: {  	[tilespmem:s22], [sflag:$0x4] =	stream.indirect_vreg.gather [hbm4b:s3+s2], $0x80, v4, vm0, $0xb8;
	[tilespmem:$0x10100] =	vst v63  }
0xd2: {  	_ = 	snop  }
0xd3: {  	[tilespmem:s23], [sflag:$0x4] =	stream.indirect_vreg.gather [hbm4b:s3+s2], $0x80, v3, vm0, $0xb8;
	[tilespmem:$0x10100] =	vst v63  }
0xd4: {  	_ =	swait.ge [sflag:s24], $0x8000  }
0xd5: {  	[sflag:s24] =	ssyncset.done $0x0  }
0xd6: {  	s4 =	sadd.s32 $0xFFFFF000, s30;
	[sflag:s24] =	ssyncadd.s32 $0xFFFF8000  }
0xd7: {  	[hbm4b:s4+s2] =	stream.linear.scatter [tilespmem:s7], [sflag:$0x5], $0x8000, $0x38;
	[tilespmem:$0x10100] =	vst v63  }
0xd8: {  	_ =	swait.ge [sflag:s25], $0x8000  }
0xd9: {  	[sflag:s25] =	ssyncset.done $0x0  }
0xda: {  	[sflag:s25] =	ssyncadd.s32 $0xFFFF8000  }
0xdb: {  	[hbm4b:s30+s2] =	stream.linear.scatter [tilespmem:s9], [sflag:$0x6], $0x8000, $0x38;
	[tilespmem:$0x10100] =	vst v63  }
0xdc: {  	p0 =	sne.s32 s31, $0x260;
	_ =	swait.ge [sflag:s26], $0x8000  }
.Ltmp0:
0xdd: {  	[sflag:s26] =	ssyncset.done $0x0;
	(pc) =	sbr.rel @p0 .LBB2_2-.Ltmp0, $4  }
0xde: {  	[sflag:s26] =	ssyncadd.s32 $0xFFFF8000  }
0xdf: {  	_ =	swait.ge [sflag:s28], $0x8000  }
0xe0: {  	[sflag:s28] =	ssyncset.done $0x0  }
0xe1: {  	s31 =	sadd.s32 $0x20, s31;
	s30 =	sadd.s32 $0x2000, s30;
	[sflag:s28] =	ssyncadd.s32 $0xFFFF8000  }
0xe2: {  	s29 =	sadd.s32 $0x1, s29;
	s0 =	rddreg [dreg:$0x15]  }
0xe3: {  	p0 =	sne.s32 s29, s0  }
.Ltmp1:
0xe4: {  	_ = 	snop;
	(pc) =	sbr.rel @p0 .LBB2_1-.Ltmp1, $1  }
0xe5: {  	_ =	sdelay $0x3  }
0xe6: {  	_ =	sfence.sel $0x180000  }
0xe7: {  	[bflag:$0x0] =	sbarrier.arrive $0xFFFF  }
0xe8: {  	_ =	strace $0x9000004D  }
0xe9: {  	s0 =	stileid.u32;
	[bflag:$0x2] =	sbarrier.arrive $0xFFFF  }
0xea: {  	p0 =	sne.s32 s0, $0x0;
	s0 =	rddreg [dreg:$0x1]  }
0xeb: {  	s0 =	sadd.s32 @!p0 $0x100000, s0  }
0xec: {  	[sflag:s0] =	ssyncadd.tile.s32 @!p0 $0x1;
	_ =	shalt  }
.Lfunc_end2:
_tile_overlayer_lowered:
.L_overlay_start_2:
0xed: {  	(tag) =	ssettag $0x2  }
0xee: {  	s0 =	rddreg [dreg:$0x0];
	s2 =	stileid.u32  }
0xef: {  	s1 =	rddreg [dreg:$0x1];
	p0 =	sne.s32 s2, $0x0  }
0xf0: {  	s3 =	rddreg [dreg:$0x2];
	[bflag:$0x3] =	sbarrier.arrive $0xFFFF;
	s2 =	simm.s32 @!p0 $0x1C07  }
0xf1: {  	[timem:s3], [sflag:s2] =	dma.local @!p0 [hbm:s0], s1  }
0xf2: {  	s0 =	simm.s32 @!p0 $0x7  }
0xf3: {  	_ =	swait.ge @!p0 [sflag:s0], s1  }
0xf4: {  	s1 =	ssub.s32 @!p0 $0x0, s1;
	[sflag:s0] =	ssyncset.done @!p0 $0x0  }
0xf5: {  	[sflag:s0] =	ssyncadd.s32 @!p0 s1  }
0xf6: {  	[bflag:$0x3] =	sbarrier.arrive $0xFFFF  }
0xf7: {  	_ =	shalt  }

// kernel: sc_scatter_add.4.cloned.1.call-start
scs
__scs_entry_jumppad:
0x0: {  	(pc) =	sbr.rel $0x88, $3  }
0x1: {  	(tag) =	ssettag $0x0;
	lr =	simm.s32 $0x1  }
0x2: {  	[smem:$0x3F8A] =	sst lr;
	_ =	strace $0xD0000000  }
0x3: {  	_ = 	snop  }
0x4: {  	_ = 	snop  }
0x5: {  	_ = 	snop  }
0x6: {  	_ = 	snop  }
0x7: {  	_ = 	snop  }
__scs_overlays_trampoline_lowered:
0x8: {  	[smem:$0x3F99] =	sst s0  }
0x9: {  	[smem:$0x3F9A] =	sst s1  }
0xa: {  	[smem:$0x3F9B] =	sst s2  }
0xb: {  	[smem:$0x3F9C] =	sst s3  }
0xc: {  	[smem:$0x3F9D] =	sst s4  }
0xd: {  	[smem:$0x3F9E] =	sst s5  }
0xe: {  	[smem:$0x3F9F] =	sst s6  }
0xf: {  	[smem:$0x3FA0] =	sst s7  }
0x10: {  	[smem:$0x3FA1] =	sst s8  }
0x11: {  	[smem:$0x3FA2] =	sst s9;
	s0 =	simm.s32 @!p0 $0x0  }
0x12: {  	s1 =	sld [smem:$0x3F88];
	s0 =	simm.s32 @p0 $0x1  }
0x13: {  	[smem:$0x3FA3] =	sst s0;
	s0 =	simm.s32 @!p1 $0x0  }
0x14: {  	s2 =	sld [smem:$0x3F87];
	s0 =	simm.s32 @p1 $0x1  }
0x15: {  	[smem:$0x3FA4] =	sst s0;
	s0 =	simm.s32 @!p2 $0x0  }
0x16: {  	s3 =	sld [smem:$0x3FDB];
	s0 =	simm.s32 @p2 $0x1  }
0x17: {  	s4 =	simm.s32 $0x1BF5;
	[smem:$0x3FA6] =	sst s0  }
0x18: {  	s0 =	sld [smem:$0x3F89];
	_ =	swait.ge [sflag:s4], $0x0  }
0x19: {  	s7 =	sld [smem:$0x3F8A]  }
0x1a: {  	s8 =	sadd.s32 $0xFFFFE003, lr  }
0x1b: {  	s9 =	sadd.s32 $0xFFFFFEF7, lr;
	s5 =	simm.s32 $0xFFFFFFFF;
	p2 =	slt.u32 s8, $0xFFFFF086  }
0x1c: {  	p1 =	slt.u32 s9, $0xF7A;
	s5 =	simm.s32 @!p2 $0x0  }
0x1d: {  	s5 =	simm.s32 @p1 $0x1;
	p0 =	seq.s32 s7, s2  }
0x1e: {  	s7 =	smul.u32 @!p0 $0xF7A, s2;
	p2 =	seq.s32 @!p0 s5, $0x0  }
0x1f: {  	s9 =	smul.u32 $0xF7A, s1;
	s8 =	simm.s32 @!p0 $0x1BF5;
	p2 =	por !p2, p0  }
0x20: {  	[sflag:s8] =	ssyncset.s32 @!p0 $0xFFFFF086;
	s6 =	sadd.s32 @!p0 s3, s7;
	s7 =	simm.s32 @!p0 $0x108  }
0x21: {  	s3 =	sadd.s32 s3, s9;
	s6 =	sadd.s32 @!p0 $0x88, s6;
	s7 =	simm.s32 @p2 $0x1082  }
0x22: {  	[simem:s7], [sflag:s8] =	dma.local @!p0 [hbm:s6], $0xF7A  }
0x23: {  	s9 =	sor.u32 $0xD0000000, s2;
	s6 =	simm.s32 $0x108;
	_ =	swait.ge @!p0 [sflag:s8], $0x0  }
0x24: {  	s3 =	sadd.s32 $0x88, s3;
	s6 =	simm.s32 @!p1 $0x1082;
	[sflag:s4] =	ssyncset.s32 $0xFFFFF086  }
0x25: {  	[simem:s6], [sflag:s4] =	dma.local [hbm:s3], $0xF7A  }
0x26: {  	[smem:$0x3F8A] =	sst s1;
	(tag) =	ssettag s2;
	_ =	strace s9  }
0x27: {  	s1 =	sld [smem:$0x3F9A]  }
0x28: {  	s2 =	sld [smem:$0x3F9B]  }
0x29: {  	s4 =	sld [smem:$0x3F9D]  }
0x2a: {  	p0 =	seq.s32 s5, $0x0;
	s5 =	sld [smem:$0x3F9E]  }
0x2b: {  	s6 =	sld [smem:$0x3F9F]  }
0x2c: {  	s7 =	sld [smem:$0x3FA0]  }
0x2d: {  	s3 =	simm.s32 $0x108;
	s8 =	sld [smem:$0x3FA1]  }
0x2e: {  	s3 =	simm.s32 @!p0 $0x1082;
	s9 =	sld [smem:$0x3FA2]  }
0x2f: {  	lr =	sadd.s32 s0, s3;
	s0 =	sld [smem:$0x3F99]  }
0x30: {  	s3 =	sld [smem:$0x3F9C]  }
0x31: {  	[smem:$0x3FA5] =	sst s10  }
0x32: {  	s10 =	sld [smem:$0x3FA3];
	_ =	sdelay $0x3  }
0x33: {  	p0 =	seq.s32 s10, $0x1;
	s10 =	sld [smem:$0x3FA5];
	_ =	sdelay $0x3  }
0x34: {  	[smem:$0x3FA5] =	sst s10  }
0x35: {  	s10 =	sld [smem:$0x3FA4];
	_ =	sdelay $0x3  }
0x36: {  	p1 =	seq.s32 s10, $0x1;
	s10 =	sld [smem:$0x3FA5];
	_ =	sdelay $0x3  }
0x37: {  	[smem:$0x3FA5] =	sst s10  }
0x38: {  	s10 =	sld [smem:$0x3FA6]  }
0x39: {  	_ = 	snop;
	(pc) =	sbr.ind lr, $3  }
0x3a: {  	_ = 	snop  }
0x3b: {  	_ = 	snop  }
0x3c: {  	p2 =	seq.s32 s10, $0x1;
	s10 =	sld [smem:$0x3FA5]  }
0x3d: {  	_ =	shalt  }
0x3e: {  	_ =	shalt  }
0x3f: {  	_ =	shalt  }
0x40: {  	_ =	shalt  }
0x41: {  	_ =	shalt  }
0x42: {  	_ =	shalt  }
0x43: {  	_ =	shalt  }
0x44: {  	_ =	shalt  }
0x45: {  	_ =	shalt  }
0x46: {  	_ =	shalt  }
0x47: {  	_ =	shalt  }
0x48: {  	_ =	shalt  }
0x49: {  	_ =	shalt  }
0x4a: {  	_ =	shalt  }
0x4b: {  	_ =	shalt  }
0x4c: {  	_ =	shalt  }
0x4d: {  	_ =	shalt  }
0x4e: {  	_ =	shalt  }
0x4f: {  	_ =	shalt  }
0x50: {  	_ =	shalt  }
0x51: {  	_ =	shalt  }
0x52: {  	_ =	shalt  }
0x53: {  	_ =	shalt  }
0x54: {  	_ =	shalt  }
0x55: {  	_ =	shalt  }
0x56: {  	_ =	shalt  }
0x57: {  	_ =	shalt  }
0x58: {  	_ =	shalt  }
0x59: {  	_ =	shalt  }
0x5a: {  	_ =	shalt  }
0x5b: {  	_ =	shalt  }
0x5c: {  	_ =	shalt  }
0x5d: {  	_ =	shalt  }
0x5e: {  	_ =	shalt  }
0x5f: {  	_ =	shalt  }
0x60: {  	_ =	shalt  }
0x61: {  	_ =	shalt  }
0x62: {  	_ =	shalt  }
0x63: {  	_ =	shalt  }
0x64: {  	_ =	shalt  }
0x65: {  	_ =	shalt  }
0x66: {  	_ =	shalt  }
0x67: {  	_ =	shalt  }
0x68: {  	_ =	shalt  }
0x69: {  	_ =	shalt  }
0x6a: {  	_ =	shalt  }
0x6b: {  	_ =	shalt  }
0x6c: {  	_ =	shalt  }
0x6d: {  	_ =	shalt  }
0x6e: {  	_ =	shalt  }
0x6f: {  	_ =	shalt  }
0x70: {  	_ =	shalt  }
0x71: {  	_ =	shalt  }
0x72: {  	_ =	shalt  }
0x73: {  	_ =	shalt  }
0x74: {  	_ =	shalt  }
0x75: {  	_ =	shalt  }
0x76: {  	_ =	shalt  }
0x77: {  	_ =	shalt  }
0x78: {  	_ =	shalt  }
0x79: {  	_ =	shalt  }
0x7a: {  	_ =	shalt  }
0x7b: {  	_ =	shalt  }
0x7c: {  	_ =	shalt  }
0x7d: {  	_ =	shalt  }
0x7e: {  	_ =	shalt  }
0x7f: {  	_ =	shalt  }
0x80: {  	_ =	shalt  }
0x81: {  	_ =	shalt  }
0x82: {  	_ =	shalt  }
0x83: {  	_ =	shalt  }
0x84: {  	_ =	shalt  }
0x85: {  	_ =	shalt  }
0x86: {  	_ =	shalt  }
0x87: {  	_ =	shalt  }
.Lfunc_end0:
.L_simem_size_0:
called_computation.1_lowered:
.L_overlay_start_0:
0x88: {  	s2 =	sld [smem:$0x3FD9]  }
0x89: {  	s3 =	sld [smem:$0x3FFE];
	_ =	sdelay $0x1  }
0x8a: {  	s1 =	srdreg.scid  }
0x8b: {  	s0 =	sand.u32 $0x1, s1  }
0x8c: {  	s16 =	sshll.u32 s0, $0xA;
	s2 =	sadd.s32 s3, s2  }
0x8d: {  	s2 =	sadd.s32 s2, s16  }
0x8e: {  	[smem:$0x3FB1] =	sst s2  }
0x8f: {  	_ = 	snop  }
0x90: {  	(tm) =	ssettm $0x1  }
0x91: {  	s17 =	sld [smem:$0x3FFB];
	_ =	sdelay $0x3  }
0x92: {  	_ =	strace s17  }
0x93: {  	s2 =	sld [smem:$0x3FFC];
	_ =	sdelay $0x3  }
0x94: {  	_ =	strace s2  }
0x95: {  	s2 =	sld [smem:$0x3FFD];
	_ =	sdelay $0x3  }
0x96: {  	_ =	strace s2  }
0x97: {  	_ =	strace $0x8FFFFFFF  }
0x98: {  	s18 =	sld [smem:$0x3FDB];
	_ =	sdelay $0x1  }
0x99: {  	s19 =	simm.s32 $_scs_section_size  }
0x9a: {  	s4 =	simm.s32 $_size__tile_overlayer_lowered;
	s5 =	simm.s32 $_tile_overlayer_lowered  }
0x9b: {  	s22 =	simm.s32 $0x1BFF;
	s21 =	sshll.u32 s5, $0x1;
	s2 =	sadd.s32 s19, s18  }
0x9c: {  	s6 =	simm.s32 $0x0;
	s20 =	sshll.u32 s4, $0x1;
	s4 =	sadd.s32 s21, s2  }
0x9d: {  	[timem:s6], [sflag:s22] =	dma.local [hbm:s4], s20  }
0x9e: {  	_ =	swait.ge [sflag:s22], s20  }
0x9f: {  	s3 =	ssub.s32 $0x0, s20;
	[sflag:s22] =	ssyncset.done $0x0  }
0xa0: {  	[sflag:s22] =	ssyncadd.s32 s3;
	_ =	sdelay $0x1  }
0xa1: {  	s23 =	simm.s32 $0x1B8B  }
0xa2: {  	_ =	swait.ge [sflag:s23], $0x1  }
0xa3: {  	[sflag:s23] =	ssyncset.done $0x0  }
0xa4: {  	s25 =	simm.s32 $0x1B8E;
	s24 =	sld [smem:$0x3FFE];
	[sflag:s23] =	ssyncadd.s32 $0xFFFFFFFF  }
0xa5: {  	s26 =	simm.s32 $execute0_lowered;
	[smem:$0x3FD2] =	sst s25  }
0xa6: {  	s4 =	sshll.u32 s26, $0x1;
	_ =	strace $0x80000049;
	[dreg:$0x1] =	wrdreg $0xFFFFFFFF  }
0xa7: {  	s28 =	simm.s32 $_size_execute0_lowered;
	s2 =	sadd.s32 s2, s4;
	[dreg:$0x0] =	wrdreg $0x0  }
0xa8: {  	s4 =	sshll.u32 s28, $0x1;
	[dreg:$0x2] =	wrdreg s2  }
0xa9: {  	[dreg:$0x3] =	wrdreg s4  }
0xaa: {  	[dreg:$0x4] =	wrdreg $0xC0  }
0xab: {  	_ =	task [dreg:s6], $0x5FFFF  }
0xac: {  	[dreg:$0x1] =	wrdreg $0xFFFFFFFF  }
0xad: {  	[dreg:$0x0] =	wrdreg $0x60  }
0xae: {  	[dreg:$0x2] =	wrdreg s24  }
0xaf: {  	[dreg:$0x3] =	wrdreg $0x81000  }
0xb0: {  	[dreg:$0x4] =	wrdreg $0x9  }
0xb1: {  	_ =	task.clear_ibuf [dreg:s6], $0x5FFFF;
	_ =	strace $0x90000049  }
0xb2: {  	s29 =	simm.s32 $0x9;
	_ =	strace $0x8000004B  }
0xb3: {  	_ =	swait.ge [sflag:s29], $0x1  }
0xb4: {  	[sflag:s29] =	ssyncadd.s32 $0xFFFFFFFF  }
0xb5: {  	_ =	strace $0x9000004B  }
0xb6: {  	_ =	sfence  }
0xb7: {  	s30 =	sld [smem:$0x0];
	_ =	sdelay $0x2  }
0xb8: {  	s31 =	sshll.u32 s1, $0xD;
	s1 =	sshrl.u32 s1, $0x2  }
0xb9: {  	s3 =	sand.u32 $0x4000, s31;
	s1 =	sadd.s32 s1, s30  }
0xba: {  	s0 =	sor.u32 s3, s0;
	s1 =	sshll.u32 s1, $0x11  }
0xbb: {  	s0 =	sor.u32 s1, s0  }
0xbc: {  	s0 =	sadd.s32 $0x8F2B, s0  }
0xbd: {  	[sflag:s0] =	ssyncadd.remote.s32 $0x1  }
0xbe: {  	_ =	sfence.sel $0xFFFF  }
0xbf: {  	[dreg:$0x0] =	wrdreg $0xFFFFFFFF;
	(pc) =	sbr.abs _section_cstart, $3  }
0xc0: {  	[dreg:$0x1] =	wrdreg $0xFFFFFFFF  }
0xc1: {  	_ =	task.clear_ibuf [dreg:s6], $0x2FFFF;
	_ =	strace $0x9FFFFFFF  }
0xc2: {  	(tm) =	ssettm $0x7FFFFFFF  }
0xc3: {  	_ =	shalt  }
tec
execute0_lowered:
.L_overlay_start_1:
0x0: {  	(tag) =	ssettag $0x1  }
0x1: {  	s5 =	rddreg [dreg:$0x0]  }
0x2: {  	s2 =	rddreg [dreg:$0x1]  }
0x3: {  	s0 =	rddreg [dreg:$0x2]  }
0x4: {  	s3 =	simm.s32 $0x0;
	s1 =	stileid.u32;
	s6 =	srdreg.scid  }
0x5: {  	s14 =	simm.s32 $0x400;
	s15 =	simm.s32 $0x800;
	s16 =	simm.s32 $0x100  }
0x6: {  	s17 =	simm.s32 $0x4100;
	s18 =	simm.s32 $0x1;
	s19 =	simm.s32 $0x3  }
0x7: {  	s20 =	simm.s32 $0x2;
	s21 =	simm.s32 $0x4;
	s22 =	simm.s32 $0x5  }
0x8: {  	s23 =	simm.s32 $0x6;
	s24 =	simm.s32 $0x8;
	s4 =	smul.u32 $0x500, s1  }
0x9: {  	s25 =	simm.s32 $0x0;
	[smem:$0x7FF] =	sst s3;
	s7 =	smul.u32 $0x28000, s1  }
0xa: {  	s10 =	sadd.s32 $0x564000, s5;
	s6 =	sand.u32 $0x1, s6;
	s11 =	smul.u32 $0x50000, s1  }
0xb: {  	s13 =	smul.u32 $0x280000, s1;
	s29 =	sshll.u32 s1, $0x6;
	_ =	strace $0x8000004A  }
0xc: {  	s8 =	sshll.u32 s6, $0xA;
	s6 =	ssub.s32 $0x2, s6;
	s9 =	sadd.s32 s4, s5  }
0xd: {  	s4 =	sadd.s32 $0xF000, s5;
	s7 =	sor.u32 s8, s7;
	s12 =	sshrl.u32 s6, $0x1  }
0xe: {  	s28 =	sshrl.u32 s11, $0x2;
	s8 =	sor.u32 s8, s13;
	s7 =	sshrl.u32 s7, $0x3  }
0xf: {  	s12 =	ssub.s32 s6, s12;
	s11 =	sadd.s32 s28, s2;
	s13 =	sor.u32 $0x8000, s8  }
0x10: {  	s31 =	sshrl.u32 s8, $0x3;
	s9 =	sadd.s32 $0x5010, s9;
	s7 =	sadd.s32 s7, s5  }
0x11: {  	s5 =	sor.u32 $0x1C07, s29;
	s30 =	sshrl.u32 s13, $0x3;
	s11 =	sshrl.u32 s11, $0x3  }
0x12: {  	s13 =	simm.s32 $0x80;
	s6 =	sadd.s32 $0x11800, s7;
	s7 =	smax.u32 s12, $0x1  }
0x13: {  	s8 =	sadd.s32 s30, s10;
	s10 =	sadd.s32 s31, s10;
	s12 =	simm.s32 $0x7  }
.LBB2_1:
0x14: {  	[spmem:s11], [sflag:s5] =	dma.local [hbm:s4], $0x2800  }
0x15: {  	_ =	swait.ge [sflag:s12], $0x2800  }
0x16: {  	[sflag:s12] =	ssyncset.done $0x0  }
0x17: {  	[sflag:s12] =	ssyncadd.s32 $0xFFFFD800  }
0x18: {  	s26 =	sadd.s32 $0xFFFFFFF0, s9;
	[bflag:$0x0] =	sbarrier.arrive $0xFFFF  }
0x19: {  	[tilespmem:s3], [sflag:$0x1] =	stream.linear.gather [hbm4b:s26+s3], $0x80, $0x38;
	[tilespmem:$0x1C100] =	vst v63  }
0x1a: {  	_ = 	snop  }
0x1b: {  	[tilespmem:s13], [sflag:$0x2] =	stream.linear.gather [hbm4b:s9+s3], $0x80, $0x38;
	[tilespmem:$0x1C100] =	vst v63  }
0x1c: {  	s30 =	sadd.s32 $0x0, s10  }
0x1d: {  	[tilespmem:s16], [sflag:$0x3] =	stream.strided.gather [hbm4b:s30+s14], $0x4000, s15, s14, $0x38;
	[tilespmem:$0x1C100] =	vst v63  }
0x1e: {  	s31 =	sadd.s32 $0x0, s8  }
0x1f: {  	[tilespmem:s17], [sflag:$0x4] =	stream.strided.gather [hbm4b:s31+s14], $0x4000, s15, s14, $0x38;
	[tilespmem:$0x1C100] =	vst v63  }
0x20: {  	_ =	swait.ge [sflag:s18], $0x80  }
0x21: {  	[sflag:s18] =	ssyncset.done $0x0  }
0x22: {  	[sflag:s18] =	ssyncadd.s32 $0xFFFFFF80  }
0x23: {  	_ =	swait.ge [sflag:s19], $0x4000  }
0x24: {  	[sflag:s19] =	ssyncset.done $0x0  }
0x25: {  	[sflag:s19] =	ssyncadd.s32 $0xFFFFC000  }
0x26: {  	[spmem:s2] =	stream.indirect.scatter.add.f32 [tilespmem:s16], [sflag:$0x5], $0x80, s3, s13, $0xb8;
	[tilespmem:$0x1C100] =	vst v63  }
0x27: {  	_ =	swait.ge [sflag:s20], $0x80  }
0x28: {  	[sflag:s20] =	ssyncset.done $0x0  }
0x29: {  	[sflag:s20] =	ssyncadd.s32 $0xFFFFFF80  }
0x2a: {  	_ =	swait.ge [sflag:s21], $0x4000  }
0x2b: {  	[sflag:s21] =	ssyncset.done $0x0  }
0x2c: {  	[sflag:s21] =	ssyncadd.s32 $0xFFFFC000  }
0x2d: {  	[spmem:s2] =	stream.indirect.scatter.add.f32 [tilespmem:s17], [sflag:$0x6], $0x80, s13, s13, $0xb8;
	[tilespmem:$0x1C100] =	vst v63  }
0x2e: {  	_ =	swait.ge [sflag:s22], $0x4000  }
0x2f: {  	[sflag:s22] =	ssyncset.done $0x0  }
0x30: {  	[sflag:s22] =	ssyncadd.s32 $0xFFFFC000  }
0x31: {  	s29 =	simm.s32 $0x4000;
	_ =	swait.ge [sflag:s23], $0x4000  }
0x32: {  	s28 =	sadd.s32 $0x20, s9;
	s26 =	simm.s32 $0x2000;
	[sflag:s23] =	ssyncset.done $0x0  }
.LBB2_2:
0x33: {  	p0 =	sne.s32 s29, $0x4E000;
	s30 =	sadd.s32 $0xFFFFFFF0, s28;
	[sflag:s23] =	ssyncadd.s32 $0xFFFFC000  }
0x34: {  	[tilespmem:s3], [sflag:$0x1] =	stream.linear.gather [hbm4b:s30+s3], $0x80, $0x38;
	[tilespmem:$0x1C100] =	vst v63  }
0x35: {  	s30 =	smov.u32 s29;
	s29 =	sadd.s32 $0x2000, s29  }
0x36: {  	[tilespmem:s13], [sflag:$0x2] =	stream.linear.gather [hbm4b:s28+s3], $0x80, $0x38;
	[tilespmem:$0x1C100] =	vst v63  }
0x37: {  	s31 =	sadd.s32 s26, s10  }
0x38: {  	[tilespmem:s16], [sflag:$0x3] =	stream.strided.gather [hbm4b:s31+s14], $0x4000, s15, s14, $0x38;
	[tilespmem:$0x1C100] =	vst v63  }
0x39: {  	s31 =	sadd.s32 s26, s8;
	s26 =	smov.u32 s30  }
0x3a: {  	[tilespmem:s17], [sflag:$0x4] =	stream.strided.gather [hbm4b:s31+s14], $0x4000, s15, s14, $0x38;
	[tilespmem:$0x1C100] =	vst v63  }
0x3b: {  	_ =	swait.ge [sflag:s18], $0x80  }
0x3c: {  	[sflag:s18] =	ssyncset.done $0x0  }
0x3d: {  	[sflag:s18] =	ssyncadd.s32 $0xFFFFFF80  }
0x3e: {  	_ =	swait.ge [sflag:s19], $0x4000  }
0x3f: {  	[sflag:s19] =	ssyncset.done $0x0  }
0x40: {  	[sflag:s19] =	ssyncadd.s32 $0xFFFFC000  }
0x41: {  	[spmem:s2] =	stream.indirect.scatter.add.f32 [tilespmem:s16], [sflag:$0x5], $0x80, s3, s13, $0xb8;
	[tilespmem:$0x1C100] =	vst v63  }
0x42: {  	_ =	swait.ge [sflag:s20], $0x80  }
0x43: {  	[sflag:s20] =	ssyncset.done $0x0  }
0x44: {  	[sflag:s20] =	ssyncadd.s32 $0xFFFFFF80  }
0x45: {  	_ =	swait.ge [sflag:s21], $0x4000  }
0x46: {  	[sflag:s21] =	ssyncset.done $0x0  }
0x47: {  	[sflag:s21] =	ssyncadd.s32 $0xFFFFC000  }
0x48: {  	[spmem:s2] =	stream.indirect.scatter.add.f32 [tilespmem:s17], [sflag:$0x6], $0x80, s13, s13, $0xb8;
	[tilespmem:$0x1C100] =	vst v63  }
.Ltmp0:
0x49: {  	_ =	swait.ge [sflag:s22], $0x4000;
	(pc) =	sbr.rel @p0 .LBB2_2-.Ltmp0, $4  }
0x4a: {  	[sflag:s22] =	ssyncset.done $0x0  }
0x4b: {  	[sflag:s22] =	ssyncadd.s32 $0xFFFFC000  }
0x4c: {  	_ =	swait.ge [sflag:s23], $0x4000  }
0x4d: {  	s28 =	sadd.s32 $0x20, s28;
	[sflag:s23] =	ssyncset.done $0x0  }
0x4e: {  	s29 =	sadd.s32 $0xFFFFFFF0, s28;
	[sflag:s23] =	ssyncadd.s32 $0xFFFFC000  }
0x4f: {  	[tilespmem:s3], [sflag:$0x1] =	stream.linear.gather [hbm4b:s29+s3], $0x80, $0x38;
	[tilespmem:$0x1C100] =	vst v63  }
0x50: {  	_ = 	snop  }
0x51: {  	[tilespmem:s13], [sflag:$0x2] =	stream.linear.gather [hbm4b:s28+s3], $0x80, $0x38;
	[tilespmem:$0x1C100] =	vst v63  }
0x52: {  	s30 =	sadd.s32 s26, s10  }
0x53: {  	[tilespmem:s16], [sflag:$0x3] =	stream.strided.gather [hbm4b:s30+s14], $0x4000, s15, s14, $0x38;
	[tilespmem:$0x1C100] =	vst v63  }
0x54: {  	s31 =	sadd.s32 s26, s8  }
0x55: {  	[tilespmem:s17], [sflag:$0x4] =	stream.strided.gather [hbm4b:s31+s14], $0x4000, s15, s14, $0x38;
	[tilespmem:$0x1C100] =	vst v63  }
0x56: {  	_ =	swait.ge [sflag:s18], $0x80  }
0x57: {  	[sflag:s18] =	ssyncset.done $0x0  }
0x58: {  	[sflag:s18] =	ssyncadd.s32 $0xFFFFFF80  }
0x59: {  	_ =	swait.ge [sflag:s19], $0x4000  }
0x5a: {  	[sflag:s19] =	ssyncset.done $0x0  }
0x5b: {  	[sflag:s19] =	ssyncadd.s32 $0xFFFFC000  }
0x5c: {  	[spmem:s2] =	stream.indirect.scatter.add.f32 [tilespmem:s16], [sflag:$0x5], $0x80, s3, s13, $0xb8;
	[tilespmem:$0x1C100] =	vst v63  }
0x5d: {  	_ =	swait.ge [sflag:s20], $0x80  }
0x5e: {  	[sflag:s20] =	ssyncset.done $0x0  }
0x5f: {  	[sflag:s20] =	ssyncadd.s32 $0xFFFFFF80  }
0x60: {  	_ =	swait.ge [sflag:s21], $0x4000  }
0x61: {  	[sflag:s21] =	ssyncset.done $0x0  }
0x62: {  	[sflag:s21] =	ssyncadd.s32 $0xFFFFC000  }
0x63: {  	[spmem:s2] =	stream.indirect.scatter.add.f32 [tilespmem:s17], [sflag:$0x6], $0x80, s13, s13, $0xb8;
	[tilespmem:$0x1C100] =	vst v63  }
0x64: {  	_ =	swait.ge [sflag:s22], $0x4000  }
0x65: {  	[sflag:s22] =	ssyncset.done $0x0  }
0x66: {  	[sflag:s22] =	ssyncadd.s32 $0xFFFFC000  }
0x67: {  	_ =	swait.ge [sflag:s23], $0x4000  }
0x68: {  	s25 =	sadd.s32 $0x1, s25;
	[sflag:s23] =	ssyncset.done $0x0  }
0x69: {  	p0 =	sne.s32 s25, s7;
	[sflag:s23] =	ssyncadd.s32 $0xFFFFC000  }
.Ltmp1:
0x6a: {  	[bflag:$0x0] =	sbarrier.arrive $0xFFFF;
	(pc) =	sbr.rel @p0 .LBB2_1-.Ltmp1, $4  }
0x6b: {  	[hbm:s6@s16], [sflag:s5] =	dma.strided [spmem:s11@s13], $0x2800, s24, $0x10   }
0x6c: {  	_ =	swait.ge [sflag:s12], $0x2800  }
0x6d: {  	[sflag:s12] =	ssyncset.done $0x0  }
0x6e: {  	[sflag:s12] =	ssyncadd.s32 $0xFFFFD800  }
0x6f: {  	_ =	sfence.sel $0x180000  }
0x70: {  	[bflag:$0x0] =	sbarrier.arrive $0xFFFF  }
0x71: {  	p0 =	sne.s32 s1, $0x0;
	_ =	strace $0x9000004A  }
0x72: {  	s0 =	sadd.s32 @!p0 $0x100000, s0;
	[bflag:$0x2] =	sbarrier.arrive $0xFFFF  }
0x73: {  	[sflag:s0] =	ssyncadd.tile.s32 @!p0 $0x1;
	_ =	shalt  }
.Lfunc_end2:
_tile_overlayer_lowered:
.L_overlay_start_2:
0x74: {  	(tag) =	ssettag $0x2  }
0x75: {  	s0 =	rddreg [dreg:$0x0];
	s2 =	stileid.u32  }
0x76: {  	s1 =	rddreg [dreg:$0x1];
	p0 =	sne.s32 s2, $0x0  }
0x77: {  	s3 =	rddreg [dreg:$0x2];
	[bflag:$0x3] =	sbarrier.arrive $0xFFFF;
	s2 =	simm.s32 @!p0 $0x1C07  }
0x78: {  	[timem:s3], [sflag:s2] =	dma.local @!p0 [hbm:s0], s1  }
0x79: {  	s0 =	simm.s32 @!p0 $0x7  }
0x7a: {  	_ =	swait.ge @!p0 [sflag:s0], s1  }
0x7b: {  	s1 =	ssub.s32 @!p0 $0x0, s1;
	[sflag:s0] =	ssyncset.done @!p0 $0x0  }
0x7c: {  	[sflag:s0] =	ssyncadd.s32 @!p0 s1  }
0x7d: {  	[bflag:$0x3] =	sbarrier.arrive $0xFFFF  }
0x7e: {  	_ =	shalt  }

// kernel: sc_scatter_add.7.cloned.1.call-start
scs
__scs_entry_jumppad:
0x0: {  	(pc) =	sbr.rel $0x88, $3  }
0x1: {  	(tag) =	ssettag $0x0;
	lr =	simm.s32 $0x1  }
0x2: {  	[smem:$0x3F8A] =	sst lr;
	_ =	strace $0xD0000000  }
0x3: {  	_ = 	snop  }
0x4: {  	_ = 	snop  }
0x5: {  	_ = 	snop  }
0x6: {  	_ = 	snop  }
0x7: {  	_ = 	snop  }
__scs_overlays_trampoline_lowered:
0x8: {  	[smem:$0x3F99] =	sst s0  }
0x9: {  	[smem:$0x3F9A] =	sst s1  }
0xa: {  	[smem:$0x3F9B] =	sst s2  }
0xb: {  	[smem:$0x3F9C] =	sst s3  }
0xc: {  	[smem:$0x3F9D] =	sst s4  }
0xd: {  	[smem:$0x3F9E] =	sst s5  }
0xe: {  	[smem:$0x3F9F] =	sst s6  }
0xf: {  	[smem:$0x3FA0] =	sst s7  }
0x10: {  	[smem:$0x3FA1] =	sst s8  }
0x11: {  	[smem:$0x3FA2] =	sst s9;
	s0 =	simm.s32 @!p0 $0x0  }
0x12: {  	s1 =	sld [smem:$0x3F88];
	s0 =	simm.s32 @p0 $0x1  }
0x13: {  	[smem:$0x3FA3] =	sst s0;
	s0 =	simm.s32 @!p1 $0x0  }
0x14: {  	s2 =	sld [smem:$0x3F87];
	s0 =	simm.s32 @p1 $0x1  }
0x15: {  	[smem:$0x3FA4] =	sst s0;
	s0 =	simm.s32 @!p2 $0x0  }
0x16: {  	s3 =	sld [smem:$0x3FDB];
	s0 =	simm.s32 @p2 $0x1  }
0x17: {  	s4 =	simm.s32 $0x1BF5;
	[smem:$0x3FA6] =	sst s0  }
0x18: {  	s0 =	sld [smem:$0x3F89];
	_ =	swait.ge [sflag:s4], $0x0  }
0x19: {  	s7 =	sld [smem:$0x3F8A]  }
0x1a: {  	s8 =	sadd.s32 $0xFFFFE003, lr  }
0x1b: {  	s9 =	sadd.s32 $0xFFFFFEF7, lr;
	s5 =	simm.s32 $0xFFFFFFFF;
	p2 =	slt.u32 s8, $0xFFFFF086  }
0x1c: {  	p1 =	slt.u32 s9, $0xF7A;
	s5 =	simm.s32 @!p2 $0x0  }
0x1d: {  	s5 =	simm.s32 @p1 $0x1;
	p0 =	seq.s32 s7, s2  }
0x1e: {  	s7 =	smul.u32 @!p0 $0xF7A, s2;
	p2 =	seq.s32 @!p0 s5, $0x0  }
0x1f: {  	s9 =	smul.u32 $0xF7A, s1;
	s8 =	simm.s32 @!p0 $0x1BF5;
	p2 =	por !p2, p0  }
0x20: {  	[sflag:s8] =	ssyncset.s32 @!p0 $0xFFFFF086;
	s6 =	sadd.s32 @!p0 s3, s7;
	s7 =	simm.s32 @!p0 $0x108  }
0x21: {  	s3 =	sadd.s32 s3, s9;
	s6 =	sadd.s32 @!p0 $0x88, s6;
	s7 =	simm.s32 @p2 $0x1082  }
0x22: {  	[simem:s7], [sflag:s8] =	dma.local @!p0 [hbm:s6], $0xF7A  }
0x23: {  	s9 =	sor.u32 $0xD0000000, s2;
	s6 =	simm.s32 $0x108;
	_ =	swait.ge @!p0 [sflag:s8], $0x0  }
0x24: {  	s3 =	sadd.s32 $0x88, s3;
	s6 =	simm.s32 @!p1 $0x1082;
	[sflag:s4] =	ssyncset.s32 $0xFFFFF086  }
0x25: {  	[simem:s6], [sflag:s4] =	dma.local [hbm:s3], $0xF7A  }
0x26: {  	[smem:$0x3F8A] =	sst s1;
	(tag) =	ssettag s2;
	_ =	strace s9  }
0x27: {  	s1 =	sld [smem:$0x3F9A]  }
0x28: {  	s2 =	sld [smem:$0x3F9B]  }
0x29: {  	s4 =	sld [smem:$0x3F9D]  }
0x2a: {  	p0 =	seq.s32 s5, $0x0;
	s5 =	sld [smem:$0x3F9E]  }
0x2b: {  	s6 =	sld [smem:$0x3F9F]  }
0x2c: {  	s7 =	sld [smem:$0x3FA0]  }
0x2d: {  	s3 =	simm.s32 $0x108;
	s8 =	sld [smem:$0x3FA1]  }
0x2e: {  	s3 =	simm.s32 @!p0 $0x1082;
	s9 =	sld [smem:$0x3FA2]  }
0x2f: {  	lr =	sadd.s32 s0, s3;
	s0 =	sld [smem:$0x3F99]  }
0x30: {  	s3 =	sld [smem:$0x3F9C]  }
0x31: {  	[smem:$0x3FA5] =	sst s10  }
0x32: {  	s10 =	sld [smem:$0x3FA3];
	_ =	sdelay $0x3  }
0x33: {  	p0 =	seq.s32 s10, $0x1;
	s10 =	sld [smem:$0x3FA5];
	_ =	sdelay $0x3  }
0x34: {  	[smem:$0x3FA5] =	sst s10  }
0x35: {  	s10 =	sld [smem:$0x3FA4];
	_ =	sdelay $0x3  }
0x36: {  	p1 =	seq.s32 s10, $0x1;
	s10 =	sld [smem:$0x3FA5];
	_ =	sdelay $0x3  }
0x37: {  	[smem:$0x3FA5] =	sst s10  }
0x38: {  	s10 =	sld [smem:$0x3FA6]  }
0x39: {  	_ = 	snop;
	(pc) =	sbr.ind lr, $3  }
0x3a: {  	_ = 	snop  }
0x3b: {  	_ = 	snop  }
0x3c: {  	p2 =	seq.s32 s10, $0x1;
	s10 =	sld [smem:$0x3FA5]  }
0x3d: {  	_ =	shalt  }
0x3e: {  	_ =	shalt  }
0x3f: {  	_ =	shalt  }
0x40: {  	_ =	shalt  }
0x41: {  	_ =	shalt  }
0x42: {  	_ =	shalt  }
0x43: {  	_ =	shalt  }
0x44: {  	_ =	shalt  }
0x45: {  	_ =	shalt  }
0x46: {  	_ =	shalt  }
0x47: {  	_ =	shalt  }
0x48: {  	_ =	shalt  }
0x49: {  	_ =	shalt  }
0x4a: {  	_ =	shalt  }
0x4b: {  	_ =	shalt  }
0x4c: {  	_ =	shalt  }
0x4d: {  	_ =	shalt  }
0x4e: {  	_ =	shalt  }
0x4f: {  	_ =	shalt  }
0x50: {  	_ =	shalt  }
0x51: {  	_ =	shalt  }
0x52: {  	_ =	shalt  }
0x53: {  	_ =	shalt  }
0x54: {  	_ =	shalt  }
0x55: {  	_ =	shalt  }
0x56: {  	_ =	shalt  }
0x57: {  	_ =	shalt  }
0x58: {  	_ =	shalt  }
0x59: {  	_ =	shalt  }
0x5a: {  	_ =	shalt  }
0x5b: {  	_ =	shalt  }
0x5c: {  	_ =	shalt  }
0x5d: {  	_ =	shalt  }
0x5e: {  	_ =	shalt  }
0x5f: {  	_ =	shalt  }
0x60: {  	_ =	shalt  }
0x61: {  	_ =	shalt  }
0x62: {  	_ =	shalt  }
0x63: {  	_ =	shalt  }
0x64: {  	_ =	shalt  }
0x65: {  	_ =	shalt  }
0x66: {  	_ =	shalt  }
0x67: {  	_ =	shalt  }
0x68: {  	_ =	shalt  }
0x69: {  	_ =	shalt  }
0x6a: {  	_ =	shalt  }
0x6b: {  	_ =	shalt  }
0x6c: {  	_ =	shalt  }
0x6d: {  	_ =	shalt  }
0x6e: {  	_ =	shalt  }
0x6f: {  	_ =	shalt  }
0x70: {  	_ =	shalt  }
0x71: {  	_ =	shalt  }
0x72: {  	_ =	shalt  }
0x73: {  	_ =	shalt  }
0x74: {  	_ =	shalt  }
0x75: {  	_ =	shalt  }
0x76: {  	_ =	shalt  }
0x77: {  	_ =	shalt  }
0x78: {  	_ =	shalt  }
0x79: {  	_ =	shalt  }
0x7a: {  	_ =	shalt  }
0x7b: {  	_ =	shalt  }
0x7c: {  	_ =	shalt  }
0x7d: {  	_ =	shalt  }
0x7e: {  	_ =	shalt  }
0x7f: {  	_ =	shalt  }
0x80: {  	_ =	shalt  }
0x81: {  	_ =	shalt  }
0x82: {  	_ =	shalt  }
0x83: {  	_ =	shalt  }
0x84: {  	_ =	shalt  }
0x85: {  	_ =	shalt  }
0x86: {  	_ =	shalt  }
0x87: {  	_ =	shalt  }
.Lfunc_end0:
.L_simem_size_0:
called_computation.3_lowered:
.L_overlay_start_0:
0x88: {  	s2 =	sld [smem:$0x3FD9]  }
0x89: {  	s3 =	sld [smem:$0x3FFE];
	_ =	sdelay $0x1  }
0x8a: {  	s1 =	srdreg.scid  }
0x8b: {  	s0 =	sand.u32 $0x1, s1  }
0x8c: {  	s17 =	sshll.u32 s0, $0xA;
	s2 =	sadd.s32 s3, s2  }
0x8d: {  	s2 =	sadd.s32 s2, s17  }
0x8e: {  	[smem:$0x3FB1] =	sst s2  }
0x8f: {  	_ = 	snop  }
0x90: {  	s2 =	sld [smem:$0x3FD0];
	(tm) =	ssettm $0x1  }
0x91: {  	s18 =	sld [smem:$0x3FFB];
	_ =	sdelay $0x3  }
0x92: {  	_ =	strace s18  }
0x93: {  	s3 =	sld [smem:$0x3FFC];
	_ =	sdelay $0x3  }
0x94: {  	_ =	strace s3  }
0x95: {  	s3 =	sld [smem:$0x3FFD];
	_ =	sdelay $0x3  }
0x96: {  	_ =	strace s3  }
0x97: {  	_ =	strace $0x8FFFFFFF  }
0x98: {  	s19 =	sld [smem:$0x3FDB];
	_ =	sdelay $0x1  }
0x99: {  	s4 =	simm.s32 $_scs_section_size  }
0x9a: {  	s5 =	simm.s32 $_size__tile_overlayer_lowered;
	s6 =	simm.s32 $_tile_overlayer_lowered  }
0x9b: {  	s22 =	simm.s32 $0x1BFF;
	s21 =	sshll.u32 s6, $0x1;
	s3 =	sadd.s32 s4, s19  }
0x9c: {  	s7 =	simm.s32 $0x0;
	s20 =	sshll.u32 s5, $0x1;
	s5 =	sadd.s32 s21, s3  }
0x9d: {  	[timem:s7], [sflag:s22] =	dma.local [hbm:s5], s20  }
0x9e: {  	_ =	swait.ge [sflag:s22], s20  }
0x9f: {  	s4 =	ssub.s32 $0x0, s20;
	[sflag:s22] =	ssyncset.done $0x0  }
0xa0: {  	[sflag:s22] =	ssyncadd.s32 s4;
	_ =	sdelay $0x1  }
0xa1: {  	s23 =	simm.s32 $0x1B8B  }
0xa2: {  	_ =	swait.ge [sflag:s23], $0x1  }
0xa3: {  	[sflag:s23] =	ssyncset.done $0x0  }
0xa4: {  	s25 =	simm.s32 $0x1B8E;
	s24 =	sld [smem:$0x3FFE];
	[sflag:s23] =	ssyncadd.s32 $0xFFFFFFFF  }
0xa5: {  	s26 =	simm.s32 $execute0_lowered;
	[smem:$0x3FD2] =	sst s25  }
0xa6: {  	s5 =	sshll.u32 s26, $0x1;
	_ =	strace $0x8000004F;
	[dreg:$0x1] =	wrdreg $0xFFFFFFFF  }
0xa7: {  	s28 =	simm.s32 $_size_execute0_lowered;
	s3 =	sadd.s32 s3, s5;
	[dreg:$0x0] =	wrdreg $0x0  }
0xa8: {  	s5 =	sshll.u32 s28, $0x1;
	[dreg:$0x2] =	wrdreg s3  }
0xa9: {  	[dreg:$0x3] =	wrdreg s5  }
0xaa: {  	[dreg:$0x4] =	wrdreg $0xC0  }
0xab: {  	_ =	task [dreg:s7], $0x5FFFF  }
0xac: {  	[dreg:$0x1] =	wrdreg $0xFFFFFFFF  }
0xad: {  	[dreg:$0x0] =	wrdreg $0x60  }
0xae: {  	[dreg:$0x2] =	wrdreg s24  }
0xaf: {  	[dreg:$0x3] =	wrdreg s2  }
0xb0: {  	[dreg:$0x4] =	wrdreg $0x81000  }
0xb1: {  	[dreg:$0x5] =	wrdreg $0x9  }
0xb2: {  	_ =	task.clear_ibuf [dreg:s7], $0x6FFFF;
	_ =	strace $0x9000004F  }
0xb3: {  	s29 =	simm.s32 $0x9;
	_ =	strace $0x80000051  }
0xb4: {  	_ =	swait.ge [sflag:s29], $0x1  }
0xb5: {  	[sflag:s29] =	ssyncadd.s32 $0xFFFFFFFF  }
0xb6: {  	_ =	strace $0x90000051  }
0xb7: {  	_ =	sfence  }
0xb8: {  	s30 =	sld [smem:$0x0];
	_ =	sdelay $0x2  }
0xb9: {  	s31 =	sshll.u32 s1, $0xD;
	s1 =	sshrl.u32 s1, $0x2  }
0xba: {  	s3 =	sand.u32 $0x4000, s31;
	s1 =	sadd.s32 s1, s30  }
0xbb: {  	s0 =	sor.u32 s3, s0;
	s1 =	sshll.u32 s1, $0x11  }
0xbc: {  	s0 =	sor.u32 s1, s0  }
0xbd: {  	s0 =	sadd.s32 $0x8F2B, s0  }
0xbe: {  	[sflag:s0] =	ssyncadd.remote.s32 $0x1  }
0xbf: {  	_ =	sfence.sel $0xFFFF  }
0xc0: {  	[dreg:$0x0] =	wrdreg $0xFFFFFFFF;
	(pc) =	sbr.abs _section_cstart, $3  }
0xc1: {  	[dreg:$0x1] =	wrdreg $0xFFFFFFFF  }
0xc2: {  	_ =	task.clear_ibuf [dreg:s7], $0x2FFFF;
	_ =	strace $0x9FFFFFFF  }
0xc3: {  	(tm) =	ssettm $0x7FFFFFFF  }
tec
execute0_lowered:
.L_overlay_start_1:
0x0: {  	(tag) =	ssettag $0x1  }
0x1: {  	s4 =	rddreg [dreg:$0x0]  }
0x2: {  	s6 =	rddreg [dreg:$0x1]  }
0x3: {  	s2 =	rddreg [dreg:$0x2]  }
0x4: {  	s0 =	rddreg [dreg:$0x3];
	s3 =	simm.s32 $0x0;
	s1 =	stileid.u32  }
0x5: {  	s7 =	srdreg.scid;
	s15 =	simm.s32 $0x800;
	s16 =	simm.s32 $0x100  }
0x6: {  	s17 =	simm.s32 $0x4100;
	s18 =	simm.s32 $0x1;
	s19 =	simm.s32 $0x3  }
0x7: {  	s20 =	simm.s32 $0x2;
	s21 =	simm.s32 $0x4;
	s22 =	simm.s32 $0x5  }
0x8: {  	s23 =	simm.s32 $0x6;
	s24 =	simm.s32 $0x8;
	s5 =	smul.u32 $0x500, s1  }
0x9: {  	s25 =	simm.s32 $0x0;
	[smem:$0x7FF] =	sst s3;
	s8 =	smul.u32 $0x50000, s1  }
0xa: {  	s10 =	sadd.s32 $0x561800, s4;
	s7 =	sand.u32 $0x1, s7;
	s12 =	smul.u32 $0x28000, s1  }
0xb: {  	s13 =	smul.u32 $0x280000, s1;
	s29 =	sshll.u32 s1, $0x6;
	_ =	strace $0x80000050  }
0xc: {  	s26 =	ssub.s32 $0x2, s7;
	s7 =	sshll.u32 s7, $0xA;
	s9 =	sadd.s32 s5, s4  }
0xd: {  	s4 =	sadd.s32 $0xF000, s4;
	s11 =	sshrl.u32 s26, $0x1;
	s8 =	sshrl.u32 s8, $0x2  }
0xe: {  	s28 =	sor.u32 s7, s12;
	s13 =	sor.u32 s7, s13;
	s5 =	sor.u32 $0x1C07, s29  }
0xf: {  	s11 =	ssub.s32 s26, s11;
	s14 =	sadd.s32 s8, s2;
	s12 =	sshrl.u32 s28, $0x3  }
0x10: {  	s30 =	sor.u32 $0x8000, s13;
	s31 =	sshrl.u32 s13, $0x3;
	s9 =	sadd.s32 $0x5010, s9  }
0x11: {  	s13 =	simm.s32 $0x80;
	s6 =	sadd.s32 s6, s12;
	s7 =	smax.u32 s11, $0x1  }
0x12: {  	s8 =	sshrl.u32 s30, $0x3;
	s11 =	sshrl.u32 s14, $0x3;
	s12 =	simm.s32 $0x7  }
0x13: {  	s14 =	simm.s32 $0x400;
	s8 =	sadd.s32 s8, s10;
	s10 =	sadd.s32 s31, s10  }
.LBB2_1:
0x14: {  	[spmem:s11], [sflag:s5] =	dma.local [hbm:s4], $0x2800  }
0x15: {  	_ =	swait.ge [sflag:s12], $0x2800  }
0x16: {  	[sflag:s12] =	ssyncset.done $0x0  }
0x17: {  	[sflag:s12] =	ssyncadd.s32 $0xFFFFD800  }
0x18: {  	s26 =	sadd.s32 $0xFFFFFFF0, s9;
	[bflag:$0x0] =	sbarrier.arrive $0xFFFF  }
0x19: {  	[tilespmem:s3], [sflag:$0x1] =	stream.linear.gather [hbm4b:s26+s3], $0x80, $0x38;
	[tilespmem:$0x1C100] =	vst v63  }
0x1a: {  	_ = 	snop  }
0x1b: {  	[tilespmem:s13], [sflag:$0x2] =	stream.linear.gather [hbm4b:s9+s3], $0x80, $0x38;
	[tilespmem:$0x1C100] =	vst v63  }
0x1c: {  	s30 =	sadd.s32 $0x0, s10  }
0x1d: {  	[tilespmem:s16], [sflag:$0x3] =	stream.strided.gather [hbm4b:s30+s14], $0x4000, s15, s14, $0x38;
	[tilespmem:$0x1C100] =	vst v63  }
0x1e: {  	s31 =	sadd.s32 $0x0, s8  }
0x1f: {  	[tilespmem:s17], [sflag:$0x4] =	stream.strided.gather [hbm4b:s31+s14], $0x4000, s15, s14, $0x38;
	[tilespmem:$0x1C100] =	vst v63  }
0x20: {  	_ =	swait.ge [sflag:s18], $0x80  }
0x21: {  	[sflag:s18] =	ssyncset.done $0x0  }
0x22: {  	[sflag:s18] =	ssyncadd.s32 $0xFFFFFF80  }
0x23: {  	_ =	swait.ge [sflag:s19], $0x4000  }
0x24: {  	[sflag:s19] =	ssyncset.done $0x0  }
0x25: {  	[sflag:s19] =	ssyncadd.s32 $0xFFFFC000  }
0x26: {  	[spmem:s2] =	stream.indirect.scatter.add.f32 [tilespmem:s16], [sflag:$0x5], $0x80, s3, s13, $0xb8;
	[tilespmem:$0x1C100] =	vst v63  }
0x27: {  	_ =	swait.ge [sflag:s20], $0x80  }
0x28: {  	[sflag:s20] =	ssyncset.done $0x0  }
0x29: {  	[sflag:s20] =	ssyncadd.s32 $0xFFFFFF80  }
0x2a: {  	_ =	swait.ge [sflag:s21], $0x4000  }
0x2b: {  	[sflag:s21] =	ssyncset.done $0x0  }
0x2c: {  	[sflag:s21] =	ssyncadd.s32 $0xFFFFC000  }
0x2d: {  	[spmem:s2] =	stream.indirect.scatter.add.f32 [tilespmem:s17], [sflag:$0x6], $0x80, s13, s13, $0xb8;
	[tilespmem:$0x1C100] =	vst v63  }
0x2e: {  	_ =	swait.ge [sflag:s22], $0x4000  }
0x2f: {  	[sflag:s22] =	ssyncset.done $0x0  }
0x30: {  	[sflag:s22] =	ssyncadd.s32 $0xFFFFC000  }
0x31: {  	s29 =	simm.s32 $0x4000;
	_ =	swait.ge [sflag:s23], $0x4000  }
0x32: {  	s28 =	sadd.s32 $0x20, s9;
	s26 =	simm.s32 $0x2000;
	[sflag:s23] =	ssyncset.done $0x0  }
.LBB2_2:
0x33: {  	p0 =	sne.s32 s29, $0x4E000;
	s30 =	sadd.s32 $0xFFFFFFF0, s28;
	[sflag:s23] =	ssyncadd.s32 $0xFFFFC000  }
0x34: {  	[tilespmem:s3], [sflag:$0x1] =	stream.linear.gather [hbm4b:s30+s3], $0x80, $0x38;
	[tilespmem:$0x1C100] =	vst v63  }
0x35: {  	s30 =	smov.u32 s29;
	s29 =	sadd.s32 $0x2000, s29  }
0x36: {  	[tilespmem:s13], [sflag:$0x2] =	stream.linear.gather [hbm4b:s28+s3], $0x80, $0x38;
	[tilespmem:$0x1C100] =	vst v63  }
0x37: {  	s31 =	sadd.s32 s26, s10  }
0x38: {  	[tilespmem:s16], [sflag:$0x3] =	stream.strided.gather [hbm4b:s31+s14], $0x4000, s15, s14, $0x38;
	[tilespmem:$0x1C100] =	vst v63  }
0x39: {  	s31 =	sadd.s32 s26, s8;
	s26 =	smov.u32 s30  }
0x3a: {  	[tilespmem:s17], [sflag:$0x4] =	stream.strided.gather [hbm4b:s31+s14], $0x4000, s15, s14, $0x38;
	[tilespmem:$0x1C100] =	vst v63  }
0x3b: {  	_ =	swait.ge [sflag:s18], $0x80  }
0x3c: {  	[sflag:s18] =	ssyncset.done $0x0  }
0x3d: {  	[sflag:s18] =	ssyncadd.s32 $0xFFFFFF80  }
0x3e: {  	_ =	swait.ge [sflag:s19], $0x4000  }
0x3f: {  	[sflag:s19] =	ssyncset.done $0x0  }
0x40: {  	[sflag:s19] =	ssyncadd.s32 $0xFFFFC000  }
0x41: {  	[spmem:s2] =	stream.indirect.scatter.add.f32 [tilespmem:s16], [sflag:$0x5], $0x80, s3, s13, $0xb8;
	[tilespmem:$0x1C100] =	vst v63  }
0x42: {  	_ =	swait.ge [sflag:s20], $0x80  }
0x43: {  	[sflag:s20] =	ssyncset.done $0x0  }
0x44: {  	[sflag:s20] =	ssyncadd.s32 $0xFFFFFF80  }
0x45: {  	_ =	swait.ge [sflag:s21], $0x4000  }
0x46: {  	[sflag:s21] =	ssyncset.done $0x0  }
0x47: {  	[sflag:s21] =	ssyncadd.s32 $0xFFFFC000  }
0x48: {  	[spmem:s2] =	stream.indirect.scatter.add.f32 [tilespmem:s17], [sflag:$0x6], $0x80, s13, s13, $0xb8;
	[tilespmem:$0x1C100] =	vst v63  }
.Ltmp0:
0x49: {  	_ =	swait.ge [sflag:s22], $0x4000;
	(pc) =	sbr.rel @p0 .LBB2_2-.Ltmp0, $4  }
0x4a: {  	[sflag:s22] =	ssyncset.done $0x0  }
0x4b: {  	[sflag:s22] =	ssyncadd.s32 $0xFFFFC000  }
0x4c: {  	_ =	swait.ge [sflag:s23], $0x4000  }
0x4d: {  	s28 =	sadd.s32 $0x20, s28;
	[sflag:s23] =	ssyncset.done $0x0  }
0x4e: {  	s29 =	sadd.s32 $0xFFFFFFF0, s28;
	[sflag:s23] =	ssyncadd.s32 $0xFFFFC000  }
0x4f: {  	[tilespmem:s3], [sflag:$0x1] =	stream.linear.gather [hbm4b:s29+s3], $0x80, $0x38;
	[tilespmem:$0x1C100] =	vst v63  }
0x50: {  	_ = 	snop  }
0x51: {  	[tilespmem:s13], [sflag:$0x2] =	stream.linear.gather [hbm4b:s28+s3], $0x80, $0x38;
	[tilespmem:$0x1C100] =	vst v63  }
0x52: {  	s30 =	sadd.s32 s26, s10  }
0x53: {  	[tilespmem:s16], [sflag:$0x3] =	stream.strided.gather [hbm4b:s30+s14], $0x4000, s15, s14, $0x38;
	[tilespmem:$0x1C100] =	vst v63  }
0x54: {  	s31 =	sadd.s32 s26, s8  }
0x55: {  	[tilespmem:s17], [sflag:$0x4] =	stream.strided.gather [hbm4b:s31+s14], $0x4000, s15, s14, $0x38;
	[tilespmem:$0x1C100] =	vst v63  }
0x56: {  	_ =	swait.ge [sflag:s18], $0x80  }
0x57: {  	[sflag:s18] =	ssyncset.done $0x0  }
0x58: {  	[sflag:s18] =	ssyncadd.s32 $0xFFFFFF80  }
0x59: {  	_ =	swait.ge [sflag:s19], $0x4000  }
0x5a: {  	[sflag:s19] =	ssyncset.done $0x0  }
0x5b: {  	[sflag:s19] =	ssyncadd.s32 $0xFFFFC000  }
0x5c: {  	[spmem:s2] =	stream.indirect.scatter.add.f32 [tilespmem:s16], [sflag:$0x5], $0x80, s3, s13, $0xb8;
	[tilespmem:$0x1C100] =	vst v63  }
0x5d: {  	_ =	swait.ge [sflag:s20], $0x80  }
0x5e: {  	[sflag:s20] =	ssyncset.done $0x0  }
0x5f: {  	[sflag:s20] =	ssyncadd.s32 $0xFFFFFF80  }
0x60: {  	_ =	swait.ge [sflag:s21], $0x4000  }
0x61: {  	[sflag:s21] =	ssyncset.done $0x0  }
0x62: {  	[sflag:s21] =	ssyncadd.s32 $0xFFFFC000  }
0x63: {  	[spmem:s2] =	stream.indirect.scatter.add.f32 [tilespmem:s17], [sflag:$0x6], $0x80, s13, s13, $0xb8;
	[tilespmem:$0x1C100] =	vst v63  }
0x64: {  	_ =	swait.ge [sflag:s22], $0x4000  }
0x65: {  	[sflag:s22] =	ssyncset.done $0x0  }
0x66: {  	[sflag:s22] =	ssyncadd.s32 $0xFFFFC000  }
0x67: {  	_ =	swait.ge [sflag:s23], $0x4000  }
0x68: {  	s25 =	sadd.s32 $0x1, s25;
	[sflag:s23] =	ssyncset.done $0x0  }
0x69: {  	p0 =	sne.s32 s25, s7;
	[sflag:s23] =	ssyncadd.s32 $0xFFFFC000  }
.Ltmp1:
0x6a: {  	[bflag:$0x0] =	sbarrier.arrive $0xFFFF;
	(pc) =	sbr.rel @p0 .LBB2_1-.Ltmp1, $4  }
0x6b: {  	[hbm:s6@s16], [sflag:s5] =	dma.strided [spmem:s11@s13], $0x2800, s24, $0x10   }
0x6c: {  	_ =	swait.ge [sflag:s12], $0x2800  }
0x6d: {  	[sflag:s12] =	ssyncset.done $0x0  }
0x6e: {  	[sflag:s12] =	ssyncadd.s32 $0xFFFFD800  }
0x6f: {  	_ =	sfence.sel $0x180000  }
0x70: {  	[bflag:$0x0] =	sbarrier.arrive $0xFFFF  }
0x71: {  	p0 =	sne.s32 s1, $0x0;
	_ =	strace $0x90000050  }
0x72: {  	s0 =	sadd.s32 @!p0 $0x100000, s0;
	[bflag:$0x2] =	sbarrier.arrive $0xFFFF  }
0x73: {  	[sflag:s0] =	ssyncadd.tile.s32 @!p0 $0x1;
	_ =	shalt  }
.Lfunc_end2:
_tile_overlayer_lowered:
.L_overlay_start_2:
0x74: {  	(tag) =	ssettag $0x2  }
0x75: {  	s0 =	rddreg [dreg:$0x0];
	s2 =	stileid.u32  }
0x76: {  	s1 =	rddreg [dreg:$0x1];
	p0 =	sne.s32 s2, $0x0  }
0x77: {  	s3 =	rddreg [dreg:$0x2];
	[bflag:$0x3] =	sbarrier.arrive $0xFFFF;
	s2 =	simm.s32 @!p0 $0x1C07  }
0x78: {  	[timem:s3], [sflag:s2] =	dma.local @!p0 [hbm:s0], s1  }
0x79: {  	s0 =	simm.s32 @!p0 $0x7  }
0x7a: {  	_ =	swait.ge @!p0 [sflag:s0], s1  }
0x7b: {  	s1 =	ssub.s32 @!p0 $0x0, s1;
	[sflag:s0] =	ssyncset.done @!p0 $0x0  }
0x7c: {  	[sflag:s0] =	ssyncadd.s32 @!p0 s1  }
0x7d: {  	[bflag:$0x3] =	sbarrier.arrive $0xFFFF  }
0x7e: {  	_ =	shalt  }

</sc_bundles>
